<compile_context>
chip_gen: v7x
topology: tpu7x:2x2x1
jax: 0.10.2.dev20260603
libtpu: 0.0.44.dev20260713+nightly
codegen_flags: <defaults>
</compile_context>

<pallas_src>
import functools

import jax
import jax.numpy as jnp
from jax import lax
from jax.experimental import pallas as pl
from jax.experimental.pallas import tpu as pltpu
from jax.experimental.pallas import tpu_sc as plsc

_B, _S, _H = 4, 2048, 768
_R = _B * _S
_NC, _NS, _L = 2, 16, 16
_NW = _NC * _NS
_RPW = _R // _NW
_CH = 64
_NCHUNK = _RPW // _CH

_BLK = 1024



def _layer2_body(x_ref, h_ref, m_ref, ws_ref, wh_ref, b_ref, o_ref, os_ref):
    x = x_ref[...]
    h = h_ref[...]
    acc = jnp.dot(x, ws_ref[...], preferred_element_type=jnp.float32)
    acc += jnp.dot(h, wh_ref[...], preferred_element_type=jnp.float32)
    o = jnp.maximum(acc + b_ref[...], 0.0) * m_ref[...]
    o_ref[...] = o
    os_ref[...] = o


def _layer_body(x_ref, h_ref, m_ref, ws_ref, wh_ref, b_ref, o_ref):
    x = x_ref[...]
    h = h_ref[...]
    acc = jnp.dot(x, ws_ref[...], preferred_element_type=jnp.float32)
    acc += jnp.dot(h, wh_ref[...], preferred_element_type=jnp.float32)
    o_ref[...] = jnp.maximum(acc + b_ref[...], 0.0) * m_ref[...]


_row_spec = pl.BlockSpec((_BLK, _H), lambda i: (i, 0))
_mask_spec = pl.BlockSpec((_BLK, 1), lambda i: (i, 0))
_w_spec = pl.BlockSpec((_H, _H), lambda i: (0, 0))
_b_spec = pl.BlockSpec((1, _H), lambda i: (0, 0))

_tc_layer1 = pl.pallas_call(
    _layer2_body,
    grid=(_R // _BLK,),
    in_specs=[_row_spec, _row_spec, _mask_spec, _w_spec, _w_spec, _b_spec],
    out_specs=(_row_spec, _row_spec),
    out_shape=(jax.ShapeDtypeStruct((_R, _H), jnp.float32),
               jax.ShapeDtypeStruct((_R, _H), jnp.float32)),
)

_tc_layer2 = pl.pallas_call(
    _layer_body,
    grid=(_R // _BLK,),
    in_specs=[_row_spec, _row_spec, _mask_spec, _w_spec, _w_spec, _b_spec],
    out_specs=_row_spec,
    out_shape=jax.ShapeDtypeStruct((_R, _H), jnp.float32),
)



def _sc_gather_body(heads_hbm, table_hbm, out_hbm, idx_v, buf0, buf1, sem0, sem1):
    wid = lax.axis_index("s") * _NC + lax.axis_index("c")
    base = wid * _RPW
    pltpu.sync_copy(heads_hbm.at[pl.ds(base, _RPW)], idx_v)
    off = (base // _S) * _S
    for j in range(_RPW // _L):
        sl = pl.ds(j * _L, _L)
        idx_v[sl] = idx_v[sl] + off
    bufs, sems = (buf0, buf1), (sem0, sem1)
    cps = []
    for i in range(_NCHUNK):
        cp = pltpu.make_async_copy(
            table_hbm.at[idx_v.at[pl.ds(i * _CH, _CH)]], bufs[i % 2], sems[i % 2])
        cp.start()
        cps.append(cp)
        if i >= 1:
            cps[i - 1].wait()
            pltpu.sync_copy(bufs[(i - 1) % 2],
                            out_hbm.at[pl.ds(base + (i - 1) * _CH, _CH)])
    cps[-1].wait()
    pltpu.sync_copy(bufs[(_NCHUNK - 1) % 2],
                    out_hbm.at[pl.ds(base + (_NCHUNK - 1) * _CH, _CH)])


@functools.cache
def _make_sc_gather():
    return pl.kernel(
        _sc_gather_body,
        out_type=jax.ShapeDtypeStruct((_R, _H), jnp.float32),
        mesh=plsc.VectorSubcoreMesh(core_axis_name="c", subcore_axis_name="s"),
        scratch_types=[
            pltpu.VMEM((_RPW,), jnp.int32),
            pltpu.VMEM((_CH, _H), jnp.float32),
            pltpu.VMEM((_CH, _H), jnp.float32),
            pltpu.SemaphoreType.DMA,
            pltpu.SemaphoreType.DMA,
        ],
    )



def kernel(hidden_states, attention_mask, heads, rels, W_self, W_head, b):
    del rels
    x0 = hidden_states.reshape(_R, _H)
    mask = attention_mask.reshape(_R, 1)
    hflat = heads.reshape(_R).astype(jnp.int32)

    sc_gather = _make_sc_gather()
    h1 = sc_gather(hflat, x0)
    x1, x1s = _tc_layer1(x0, h1, mask, W_self[0], W_head[0], b[0].reshape(1, _H))
    h2 = sc_gather(hflat, x1s)
    x2 = _tc_layer2(x1, h2, mask, W_self[1], W_head[1], b[1].reshape(1, _H))
    return x2.reshape(_B, _S, _H)

# --- scband reference (transcript-rebuilt; emitter-appended) ---
"""Pipeline reference for scband-gnnencoder-3066606649847 (READ-ONLY COPY).

The authoritative reference and input builder live on the scoring server;
editing this copy changes nothing except your own understanding.
"""

import jax, jax.numpy as jnp
import numpy as np

NUM_LAYERS = 2
B, S, H = 4, 2048, 768


def setup_inputs(seed: int = 0) -> dict:
    key = jax.random.key(seed)
    ks = jax.random.split(key, 6)
    hidden_states = jax.random.normal(ks[0], (B, S, H), dtype=jnp.float32)
    attention_mask = jnp.ones((B, S), dtype=jnp.float32)
    heads = jax.random.randint(ks[1], (B, S), 0, S, dtype=jnp.int32)
    rels = jax.random.randint(ks[2], (B, S), 0, 40, dtype=jnp.int32)
    # learned params: per-layer GCN self/head projections (dependency-tree GCN)
    W_self = jax.random.normal(ks[3], (NUM_LAYERS, H, H), dtype=jnp.float32) * 0.02
    W_head = jax.random.normal(ks[4], (NUM_LAYERS, H, H), dtype=jnp.float32) * 0.02
    b = jnp.zeros((NUM_LAYERS, H), dtype=jnp.float32)
    return {"hidden_states": hidden_states, "attention_mask": attention_mask,
            "heads": heads, "rels": rels,
            "W_self": W_self, "W_head": W_head, "b": b}


def reference(hidden_states, attention_mask, heads, rels, W_self, W_head, b):
    # GNNEncoder with encoder_type='GCN', do_pal_project=False, no output/ff layers,
    # no rel embeddings: stack of NUM_LAYERS dependency-GCN layers.
    # Each GCN layer: gather parent-token states via `heads` index, project self and
    # parent messages, add, ReLU, mask padded positions.
    x = hidden_states
    mask = attention_mask[..., None]
    idx = heads[..., None].astype(jnp.int32)
    for l in range(NUM_LAYERS):
        h = jnp.take_along_axis(x, jnp.broadcast_to(idx, x.shape), axis=1)
        x = jax.nn.relu(jnp.einsum('bsh,hk->bsk', x, W_self[l])
                        + jnp.einsum('bsh,hk->bsk', h, W_head[l]) + b[l])
        x = x * mask
    return x

if __name__ == "__main__":
    import jax
    _d = setup_inputs()
    print(jax.jit(kernel)(*tuple(_d.values())))

</pallas_src>

<mosaic_0001>
#map = affine_map<(d0, d1) -> (0)>
#map1 = affine_map<(d0, d1) -> (0, 0)>
module attributes {stable_mosaic.version = 14 : i64} {
  func.func @_sc_gather_body(%arg0: i32, %arg1: i32, %arg2: memref<8192xi32, #tpu.memory_space<hbm>>, %arg3: memref<8192x768xf32, #tpu.memory_space<hbm>>, %arg4: memref<8192x768xf32, #tpu.memory_space<hbm>>, %arg5: memref<256xi32, #tpu.memory_space<vmem>>, %arg6: memref<64x768xf32, #tpu.memory_space<vmem>>, %arg7: memref<64x768xf32, #tpu.memory_space<vmem>>, %arg8: memref<!tpu.dma_semaphore, #tpu.memory_space<semaphore_mem>>, %arg9: memref<!tpu.dma_semaphore, #tpu.memory_space<semaphore_mem>>) attributes {dimension_semantics = [#tpu.dimension_semantics<core_parallel>, #tpu.dimension_semantics<subcore_parallel>], iteration_bounds = array<i64: 2, 16>, scalar_prefetch = 0 : i64, scratch_operands = 5 : i64, tpu.core_type = #tpu.core_type<sc_vector_subcore>, window_params = [{transform_indices = #map}, {transform_indices = #map1}, {transform_indices = #map1}]} {
    %mul3A = arith.constant 2 : i32
    %mul3A_0 = arith.muli %arg1, %mul3A : i32
    %add3A = arith.addi %mul3A_0, %arg0 : i32
    %mul3A_1 = arith.constant 256 : i32
    %mul3A_2 = arith.muli %add3A, %mul3A_1 : i32
    "tpu.region"() ({
      %run_scoped3A = tpu.sem_alloc : memref<!tpu.dma_semaphore, #tpu.memory_space<semaphore_mem>>
      %dma_start3A_209 = tpu.memref_slice %arg2[%mul3A_2] : memref<8192xi32, #tpu.memory_space<hbm>> -> memref<256xi32, #tpu.memory_space<hbm>>
      %dma_start3A_210 = tpu.memref_slice %arg2[%mul3A_2] : memref<8192xi32, #tpu.memory_space<hbm>> -> memref<256xi32, #tpu.memory_space<hbm>>
      tpu.enqueue_dma source(%dma_start3A_210 : memref<256xi32, #tpu.memory_space<hbm>>) target(%arg5 : memref<256xi32, #tpu.memory_space<vmem>>) target_semaphore(%run_scoped3A : memref<!tpu.dma_semaphore, #tpu.memory_space<semaphore_mem>>)
      %dma_wait3A_211 = tpu.memref_slice %arg2[%mul3A_2] : memref<8192xi32, #tpu.memory_space<hbm>> -> memref<256xi32, #tpu.memory_space<hbm>>
      %dma_wait3A_212 = tpu.memref_slice %arg2[%mul3A_2] : memref<8192xi32, #tpu.memory_space<hbm>> -> memref<256xi32, #tpu.memory_space<hbm>>
      tpu.wait_dma2 semaphore(%run_scoped3A : memref<!tpu.dma_semaphore, #tpu.memory_space<semaphore_mem>>) src(%dma_wait3A_212 : memref<256xi32, #tpu.memory_space<hbm>>) dst(%arg5 : memref<256xi32, #tpu.memory_space<vmem>>)
      tpu.yield
    }) : () -> ()
    %jit3A = arith.constant 2048 : i32
    %div3A = arith.divsi %mul3A_2, %jit3A : i32
    %sign3A = arith.constant 0 : i32
    %sign3A_3 = arith.cmpi sgt, %mul3A_2, %sign3A : i32
    %sign3A_4 = arith.extui %sign3A_3 : i1 to i32
    %sign3A_5 = arith.constant 0 : i32
    %sign3A_6 = arith.cmpi slt, %mul3A_2, %sign3A_5 : i32
    %sign3A_7 = arith.extui %sign3A_6 : i1 to i32
    %sign3A_8 = arith.subi %sign3A_4, %sign3A_7 : i32
    %sign3A_9 = arith.constant 0 : i32
    %sign3A_10 = arith.cmpi sgt, %jit3A, %sign3A_9 : i32
    %sign3A_11 = arith.extui %sign3A_10 : i1 to i32
    %sign3A_12 = arith.constant 0 : i32
    %sign3A_13 = arith.cmpi slt, %jit3A, %sign3A_12 : i32
    %sign3A_14 = arith.extui %sign3A_13 : i1 to i32
    %sign3A_15 = arith.subi %sign3A_11, %sign3A_14 : i32
    %ne3A = arith.cmpi ne, %sign3A_8, %sign3A_15 : i32
    %rem3A = arith.remsi %mul3A_2, %jit3A : i32
    %ne3A_16 = arith.constant 0 : i32
    %ne3A_17 = arith.cmpi ne, %rem3A, %ne3A_16 : i32
    %and3A = arith.andi %ne3A, %ne3A_17 : i1
    %sub3A = arith.constant 1 : i32
    %sub3A_18 = arith.subi %div3A, %sub3A : i32
    %select_n3A = arith.select %and3A, %sub3A_18, %div3A : i32
    %mul3A_19 = arith.constant 2048 : i32
    %mul3A_20 = arith.muli %select_n3A, %mul3A_19 : i32
    %get3A = arith.constant 0 : index
    %get3A_21 = tpu.vector_load %arg5[%get3A] {strides = array<i32>} : memref<256xi32, #tpu.memory_space<vmem>>, vector<16xi32>,
    %get3A_22 = vector.shape_cast %get3A_21 : vector<16xi32> to vector<16xi32>
    %add3A_23 = vector.broadcast %mul3A_20 : i32 to vector<16xi32>
    %add3A_24 = arith.addi %get3A_22, %add3A_23 : vector<16xi32>
    %swap3A = arith.constant 0 : index
    %swap3A_25 = tpu.vector_load %arg5[%swap3A] {strides = array<i32>} : memref<256xi32, #tpu.memory_space<vmem>>, vector<16xi32>,
    %swap3A_26 = vector.shape_cast %swap3A_25 : vector<16xi32> to vector<16xi32>
    %swap3A_27 = vector.shape_cast %add3A_24 : vector<16xi32> to vector<16xi32>
    tpu.vector_store %arg5[%swap3A], %swap3A_27 {strides = array<i32>} : memref<256xi32, #tpu.memory_space<vmem>>, vector<16xi32>,
    %get3A_28 = arith.constant 16 : index
    %get3A_29 = tpu.vector_load %arg5[%get3A_28] {strides = array<i32>} : memref<256xi32, #tpu.memory_space<vmem>>, vector<16xi32>,
    %get3A_30 = vector.shape_cast %get3A_29 : vector<16xi32> to vector<16xi32>
    %add3A_31 = vector.broadcast %mul3A_20 : i32 to vector<16xi32>
    %add3A_32 = arith.addi %get3A_30, %add3A_31 : vector<16xi32>
    %swap3A_33 = arith.constant 16 : index
    %swap3A_34 = tpu.vector_load %arg5[%swap3A_33] {strides = array<i32>} : memref<256xi32, #tpu.memory_space<vmem>>, vector<16xi32>,
    %swap3A_35 = vector.shape_cast %swap3A_34 : vector<16xi32> to vector<16xi32>
    %swap3A_36 = vector.shape_cast %add3A_32 : vector<16xi32> to vector<16xi32>
    tpu.vector_store %arg5[%swap3A_33], %swap3A_36 {strides = array<i32>} : memref<256xi32, #tpu.memory_space<vmem>>, vector<16xi32>,
    %get3A_37 = arith.constant 32 : index
    %get3A_38 = tpu.vector_load %arg5[%get3A_37] {strides = array<i32>} : memref<256xi32, #tpu.memory_space<vmem>>, vector<16xi32>,
    %get3A_39 = vector.shape_cast %get3A_38 : vector<16xi32> to vector<16xi32>
    %add3A_40 = vector.broadcast %mul3A_20 : i32 to vector<16xi32>
    %add3A_41 = arith.addi %get3A_39, %add3A_40 : vector<16xi32>
    %swap3A_42 = arith.constant 32 : index
    %swap3A_43 = tpu.vector_load %arg5[%swap3A_42] {strides = array<i32>} : memref<256xi32, #tpu.memory_space<vmem>>, vector<16xi32>,
    %swap3A_44 = vector.shape_cast %swap3A_43 : vector<16xi32> to vector<16xi32>
    %swap3A_45 = vector.shape_cast %add3A_41 : vector<16xi32> to vector<16xi32>
    tpu.vector_store %arg5[%swap3A_42], %swap3A_45 {strides = array<i32>} : memref<256xi32, #tpu.memory_space<vmem>>, vector<16xi32>,
    %get3A_46 = arith.constant 48 : index
    %get3A_47 = tpu.vector_load %arg5[%get3A_46] {strides = array<i32>} : memref<256xi32, #tpu.memory_space<vmem>>, vector<16xi32>,
    %get3A_48 = vector.shape_cast %get3A_47 : vector<16xi32> to vector<16xi32>
    %add3A_49 = vector.broadcast %mul3A_20 : i32 to vector<16xi32>
    %add3A_50 = arith.addi %get3A_48, %add3A_49 : vector<16xi32>
    %swap3A_51 = arith.constant 48 : index
    %swap3A_52 = tpu.vector_load %arg5[%swap3A_51] {strides = array<i32>} : memref<256xi32, #tpu.memory_space<vmem>>, vector<16xi32>,
    %swap3A_53 = vector.shape_cast %swap3A_52 : vector<16xi32> to vector<16xi32>
    %swap3A_54 = vector.shape_cast %add3A_50 : vector<16xi32> to vector<16xi32>
    tpu.vector_store %arg5[%swap3A_51], %swap3A_54 {strides = array<i32>} : memref<256xi32, #tpu.memory_space<vmem>>, vector<16xi32>,
    %get3A_55 = arith.constant 64 : index
    %get3A_56 = tpu.vector_load %arg5[%get3A_55] {strides = array<i32>} : memref<256xi32, #tpu.memory_space<vmem>>, vector<16xi32>,
    %get3A_57 = vector.shape_cast %get3A_56 : vector<16xi32> to vector<16xi32>
    %add3A_58 = vector.broadcast %mul3A_20 : i32 to vector<16xi32>
    %add3A_59 = arith.addi %get3A_57, %add3A_58 : vector<16xi32>
    %swap3A_60 = arith.constant 64 : index
    %swap3A_61 = tpu.vector_load %arg5[%swap3A_60] {strides = array<i32>} : memref<256xi32, #tpu.memory_space<vmem>>, vector<16xi32>,
    %swap3A_62 = vector.shape_cast %swap3A_61 : vector<16xi32> to vector<16xi32>
    %swap3A_63 = vector.shape_cast %add3A_59 : vector<16xi32> to vector<16xi32>
    tpu.vector_store %arg5[%swap3A_60], %swap3A_63 {strides = array<i32>} : memref<256xi32, #tpu.memory_space<vmem>>, vector<16xi32>,
    %get3A_64 = arith.constant 80 : index
    %get3A_65 = tpu.vector_load %arg5[%get3A_64] {strides = array<i32>} : memref<256xi32, #tpu.memory_space<vmem>>, vector<16xi32>,
    %get3A_66 = vector.shape_cast %get3A_65 : vector<16xi32> to vector<16xi32>
    %add3A_67 = vector.broadcast %mul3A_20 : i32 to vector<16xi32>
    %add3A_68 = arith.addi %get3A_66, %add3A_67 : vector<16xi32>
    %swap3A_69 = arith.constant 80 : index
    %swap3A_70 = tpu.vector_load %arg5[%swap3A_69] {strides = array<i32>} : memref<256xi32, #tpu.memory_space<vmem>>, vector<16xi32>,
    %swap3A_71 = vector.shape_cast %swap3A_70 : vector<16xi32> to vector<16xi32>
    %swap3A_72 = vector.shape_cast %add3A_68 : vector<16xi32> to vector<16xi32>
    tpu.vector_store %arg5[%swap3A_69], %swap3A_72 {strides = array<i32>} : memref<256xi32, #tpu.memory_space<vmem>>, vector<16xi32>,
    %get3A_73 = arith.constant 96 : index
    %get3A_74 = tpu.vector_load %arg5[%get3A_73] {strides = array<i32>} : memref<256xi32, #tpu.memory_space<vmem>>, vector<16xi32>,
    %get3A_75 = vector.shape_cast %get3A_74 : vector<16xi32> to vector<16xi32>
    %add3A_76 = vector.broadcast %mul3A_20 : i32 to vector<16xi32>
    %add3A_77 = arith.addi %get3A_75, %add3A_76 : vector<16xi32>
    %swap3A_78 = arith.constant 96 : index
    %swap3A_79 = tpu.vector_load %arg5[%swap3A_78] {strides = array<i32>} : memref<256xi32, #tpu.memory_space<vmem>>, vector<16xi32>,
    %swap3A_80 = vector.shape_cast %swap3A_79 : vector<16xi32> to vector<16xi32>
    %swap3A_81 = vector.shape_cast %add3A_77 : vector<16xi32> to vector<16xi32>
    tpu.vector_store %arg5[%swap3A_78], %swap3A_81 {strides = array<i32>} : memref<256xi32, #tpu.memory_space<vmem>>, vector<16xi32>,
    %get3A_82 = arith.constant 112 : index
    %get3A_83 = tpu.vector_load %arg5[%get3A_82] {strides = array<i32>} : memref<256xi32, #tpu.memory_space<vmem>>, vector<16xi32>,
    %get3A_84 = vector.shape_cast %get3A_83 : vector<16xi32> to vector<16xi32>
    %add3A_85 = vector.broadcast %mul3A_20 : i32 to vector<16xi32>
    %add3A_86 = arith.addi %get3A_84, %add3A_85 : vector<16xi32>
    %swap3A_87 = arith.constant 112 : index
    %swap3A_88 = tpu.vector_load %arg5[%swap3A_87] {strides = array<i32>} : memref<256xi32, #tpu.memory_space<vmem>>, vector<16xi32>,
    %swap3A_89 = vector.shape_cast %swap3A_88 : vector<16xi32> to vector<16xi32>
    %swap3A_90 = vector.shape_cast %add3A_86 : vector<16xi32> to vector<16xi32>
    tpu.vector_store %arg5[%swap3A_87], %swap3A_90 {strides = array<i32>} : memref<256xi32, #tpu.memory_space<vmem>>, vector<16xi32>,
    %get3A_91 = arith.constant 128 : index
    %get3A_92 = tpu.vector_load %arg5[%get3A_91] {strides = array<i32>} : memref<256xi32, #tpu.memory_space<vmem>>, vector<16xi32>,
    %get3A_93 = vector.shape_cast %get3A_92 : vector<16xi32> to vector<16xi32>
    %add3A_94 = vector.broadcast %mul3A_20 : i32 to vector<16xi32>
    %add3A_95 = arith.addi %get3A_93, %add3A_94 : vector<16xi32>
    %swap3A_96 = arith.constant 128 : index
    %swap3A_97 = tpu.vector_load %arg5[%swap3A_96] {strides = array<i32>} : memref<256xi32, #tpu.memory_space<vmem>>, vector<16xi32>,
    %swap3A_98 = vector.shape_cast %swap3A_97 : vector<16xi32> to vector<16xi32>
    %swap3A_99 = vector.shape_cast %add3A_95 : vector<16xi32> to vector<16xi32>
    tpu.vector_store %arg5[%swap3A_96], %swap3A_99 {strides = array<i32>} : memref<256xi32, #tpu.memory_space<vmem>>, vector<16xi32>,
    %get3A_100 = arith.constant 144 : index
    %get3A_101 = tpu.vector_load %arg5[%get3A_100] {strides = array<i32>} : memref<256xi32, #tpu.memory_space<vmem>>, vector<16xi32>,
    %get3A_102 = vector.shape_cast %get3A_101 : vector<16xi32> to vector<16xi32>
    %add3A_103 = vector.broadcast %mul3A_20 : i32 to vector<16xi32>
    %add3A_104 = arith.addi %get3A_102, %add3A_103 : vector<16xi32>
    %swap3A_105 = arith.constant 144 : index
    %swap3A_106 = tpu.vector_load %arg5[%swap3A_105] {strides = array<i32>} : memref<256xi32, #tpu.memory_space<vmem>>, vector<16xi32>,
    %swap3A_107 = vector.shape_cast %swap3A_106 : vector<16xi32> to vector<16xi32>
    %swap3A_108 = vector.shape_cast %add3A_104 : vector<16xi32> to vector<16xi32>
    tpu.vector_store %arg5[%swap3A_105], %swap3A_108 {strides = array<i32>} : memref<256xi32, #tpu.memory_space<vmem>>, vector<16xi32>,
    %get3A_109 = arith.constant 160 : index
    %get3A_110 = tpu.vector_load %arg5[%get3A_109] {strides = array<i32>} : memref<256xi32, #tpu.memory_space<vmem>>, vector<16xi32>,
    %get3A_111 = vector.shape_cast %get3A_110 : vector<16xi32> to vector<16xi32>
    %add3A_112 = vector.broadcast %mul3A_20 : i32 to vector<16xi32>
    %add3A_113 = arith.addi %get3A_111, %add3A_112 : vector<16xi32>
    %swap3A_114 = arith.constant 160 : index
    %swap3A_115 = tpu.vector_load %arg5[%swap3A_114] {strides = array<i32>} : memref<256xi32, #tpu.memory_space<vmem>>, vector<16xi32>,
    %swap3A_116 = vector.shape_cast %swap3A_115 : vector<16xi32> to vector<16xi32>
    %swap3A_117 = vector.shape_cast %add3A_113 : vector<16xi32> to vector<16xi32>
    tpu.vector_store %arg5[%swap3A_114], %swap3A_117 {strides = array<i32>} : memref<256xi32, #tpu.memory_space<vmem>>, vector<16xi32>,
    %get3A_118 = arith.constant 176 : index
    %get3A_119 = tpu.vector_load %arg5[%get3A_118] {strides = array<i32>} : memref<256xi32, #tpu.memory_space<vmem>>, vector<16xi32>,
    %get3A_120 = vector.shape_cast %get3A_119 : vector<16xi32> to vector<16xi32>
    %add3A_121 = vector.broadcast %mul3A_20 : i32 to vector<16xi32>
    %add3A_122 = arith.addi %get3A_120, %add3A_121 : vector<16xi32>
    %swap3A_123 = arith.constant 176 : index
    %swap3A_124 = tpu.vector_load %arg5[%swap3A_123] {strides = array<i32>} : memref<256xi32, #tpu.memory_space<vmem>>, vector<16xi32>,
    %swap3A_125 = vector.shape_cast %swap3A_124 : vector<16xi32> to vector<16xi32>
    %swap3A_126 = vector.shape_cast %add3A_122 : vector<16xi32> to vector<16xi32>
    tpu.vector_store %arg5[%swap3A_123], %swap3A_126 {strides = array<i32>} : memref<256xi32, #tpu.memory_space<vmem>>, vector<16xi32>,
    %get3A_127 = arith.constant 192 : index
    %get3A_128 = tpu.vector_load %arg5[%get3A_127] {strides = array<i32>} : memref<256xi32, #tpu.memory_space<vmem>>, vector<16xi32>,
    %get3A_129 = vector.shape_cast %get3A_128 : vector<16xi32> to vector<16xi32>
    %add3A_130 = vector.broadcast %mul3A_20 : i32 to vector<16xi32>
    %add3A_131 = arith.addi %get3A_129, %add3A_130 : vector<16xi32>
    %swap3A_132 = arith.constant 192 : index
    %swap3A_133 = tpu.vector_load %arg5[%swap3A_132] {strides = array<i32>} : memref<256xi32, #tpu.memory_space<vmem>>, vector<16xi32>,
    %swap3A_134 = vector.shape_cast %swap3A_133 : vector<16xi32> to vector<16xi32>
    %swap3A_135 = vector.shape_cast %add3A_131 : vector<16xi32> to vector<16xi32>
    tpu.vector_store %arg5[%swap3A_132], %swap3A_135 {strides = array<i32>} : memref<256xi32, #tpu.memory_space<vmem>>, vector<16xi32>,
    %get3A_136 = arith.constant 208 : index
    %get3A_137 = tpu.vector_load %arg5[%get3A_136] {strides = array<i32>} : memref<256xi32, #tpu.memory_space<vmem>>, vector<16xi32>,
    %get3A_138 = vector.shape_cast %get3A_137 : vector<16xi32> to vector<16xi32>
    %add3A_139 = vector.broadcast %mul3A_20 : i32 to vector<16xi32>
    %add3A_140 = arith.addi %get3A_138, %add3A_139 : vector<16xi32>
    %swap3A_141 = arith.constant 208 : index
    %swap3A_142 = tpu.vector_load %arg5[%swap3A_141] {strides = array<i32>} : memref<256xi32, #tpu.memory_space<vmem>>, vector<16xi32>,
    %swap3A_143 = vector.shape_cast %swap3A_142 : vector<16xi32> to vector<16xi32>
    %swap3A_144 = vector.shape_cast %add3A_140 : vector<16xi32> to vector<16xi32>
    tpu.vector_store %arg5[%swap3A_141], %swap3A_144 {strides = array<i32>} : memref<256xi32, #tpu.memory_space<vmem>>, vector<16xi32>,
    %get3A_145 = arith.constant 224 : index
    %get3A_146 = tpu.vector_load %arg5[%get3A_145] {strides = array<i32>} : memref<256xi32, #tpu.memory_space<vmem>>, vector<16xi32>,
    %get3A_147 = vector.shape_cast %get3A_146 : vector<16xi32> to vector<16xi32>
    %add3A_148 = vector.broadcast %mul3A_20 : i32 to vector<16xi32>
    %add3A_149 = arith.addi %get3A_147, %add3A_148 : vector<16xi32>
    %swap3A_150 = arith.constant 224 : index
    %swap3A_151 = tpu.vector_load %arg5[%swap3A_150] {strides = array<i32>} : memref<256xi32, #tpu.memory_space<vmem>>, vector<16xi32>,
    %swap3A_152 = vector.shape_cast %swap3A_151 : vector<16xi32> to vector<16xi32>
    %swap3A_153 = vector.shape_cast %add3A_149 : vector<16xi32> to vector<16xi32>
    tpu.vector_store %arg5[%swap3A_150], %swap3A_153 {strides = array<i32>} : memref<256xi32, #tpu.memory_space<vmem>>, vector<16xi32>,
    %get3A_154 = arith.constant 240 : index
    %get3A_155 = tpu.vector_load %arg5[%get3A_154] {strides = array<i32>} : memref<256xi32, #tpu.memory_space<vmem>>, vector<16xi32>,
    %get3A_156 = vector.shape_cast %get3A_155 : vector<16xi32> to vector<16xi32>
    %add3A_157 = vector.broadcast %mul3A_20 : i32 to vector<16xi32>
    %add3A_158 = arith.addi %get3A_156, %add3A_157 : vector<16xi32>
    %swap3A_159 = arith.constant 240 : index
    %swap3A_160 = tpu.vector_load %arg5[%swap3A_159] {strides = array<i32>} : memref<256xi32, #tpu.memory_space<vmem>>, vector<16xi32>,
    %swap3A_161 = vector.shape_cast %swap3A_160 : vector<16xi32> to vector<16xi32>
    %swap3A_162 = vector.shape_cast %add3A_158 : vector<16xi32> to vector<16xi32>
    tpu.vector_store %arg5[%swap3A_159], %swap3A_162 {strides = array<i32>} : memref<256xi32, #tpu.memory_space<vmem>>, vector<16xi32>,
    %dma_start3A = arith.constant 0 : i32
    %dma_start3A_163 = tpu.memref_slice %arg5[%dma_start3A] : memref<256xi32, #tpu.memory_space<vmem>> -> memref<64xi32, #tpu.memory_space<vmem>>
    %dma_start3A_164 = arith.constant 0 : i32
    %dma_start3A_165 = arith.constant 0 : i32
    %dma_start3A_166 = tpu.memref_slice %arg3[%dma_start3A_164, %dma_start3A_165] : memref<8192x768xf32, #tpu.memory_space<hbm>> -> memref<8192x768xf32, #tpu.memory_space<hbm>>
    tpu.enqueue_indirect_dma source(%dma_start3A_166 : memref<8192x768xf32, #tpu.memory_space<hbm>>) target(%arg6 : memref<64x768xf32, #tpu.memory_space<vmem>>) offsets(%dma_start3A_163 : memref<64xi32, #tpu.memory_space<vmem>>) semaphore(%arg8 : memref<!tpu.dma_semaphore, #tpu.memory_space<semaphore_mem>>)
    %dma_start3A_167 = arith.constant 64 : i32
    %dma_start3A_168 = tpu.memref_slice %arg5[%dma_start3A_167] : memref<256xi32, #tpu.memory_space<vmem>> -> memref<64xi32, #tpu.memory_space<vmem>>
    %dma_start3A_169 = arith.constant 0 : i32
    %dma_start3A_170 = arith.constant 0 : i32
    %dma_start3A_171 = tpu.memref_slice %arg3[%dma_start3A_169, %dma_start3A_170] : memref<8192x768xf32, #tpu.memory_space<hbm>> -> memref<8192x768xf32, #tpu.memory_space<hbm>>
    tpu.enqueue_indirect_dma source(%dma_start3A_171 : memref<8192x768xf32, #tpu.memory_space<hbm>>) target(%arg7 : memref<64x768xf32, #tpu.memory_space<vmem>>) offsets(%dma_start3A_168 : memref<64xi32, #tpu.memory_space<vmem>>) semaphore(%arg9 : memref<!tpu.dma_semaphore, #tpu.memory_space<semaphore_mem>>)
    %dma_wait3A = arith.constant 0 : i32
    %dma_wait3A_172 = tpu.memref_slice %arg5[%dma_wait3A] : memref<256xi32, #tpu.memory_space<vmem>> -> memref<64xi32, #tpu.memory_space<vmem>>
    %dma_wait3A_173 = arith.constant 0 : i32
    %dma_wait3A_174 = arith.constant 0 : i32
    %dma_wait3A_175 = tpu.memref_slice %arg3[%dma_wait3A_173, %dma_wait3A_174] : memref<8192x768xf32, #tpu.memory_space<hbm>> -> memref<8192x768xf32, #tpu.memory_space<hbm>>
    tpu.wait_indirect_dma semaphore(%arg8 : memref<!tpu.dma_semaphore, #tpu.memory_space<semaphore_mem>>) src(%dma_wait3A_175 : memref<8192x768xf32, #tpu.memory_space<hbm>>) dst(%arg6 : memref<64x768xf32, #tpu.memory_space<vmem>>)
    %add3A_176 = arith.constant 0 : i32
    %add3A_177 = arith.addi %mul3A_2, %add3A_176 : i32
    "tpu.region"() ({
      %run_scoped3A = tpu.sem_alloc : memref<!tpu.dma_semaphore, #tpu.memory_space<semaphore_mem>>
      %dma_start3A_209 = arith.constant 0 : i32
      %dma_start3A_210 = tpu.memref_slice %arg4[%add3A_177, %dma_start3A_209] : memref<8192x768xf32, #tpu.memory_space<hbm>> -> memref<64x768xf32, #tpu.memory_space<hbm>>
      %dma_start3A_211 = arith.constant 0 : i32
      %dma_start3A_212 = tpu.memref_slice %arg4[%add3A_177, %dma_start3A_211] : memref<8192x768xf32, #tpu.memory_space<hbm>> -> memref<64x768xf32, #tpu.memory_space<hbm>>
      tpu.enqueue_dma source(%arg6 : memref<64x768xf32, #tpu.memory_space<vmem>>) target(%dma_start3A_212 : memref<64x768xf32, #tpu.memory_space<hbm>>) target_semaphore(%run_scoped3A : memref<!tpu.dma_semaphore, #tpu.memory_space<semaphore_mem>>)
      %dma_wait3A_213 = arith.constant 0 : i32
      %dma_wait3A_214 = tpu.memref_slice %arg4[%add3A_177, %dma_wait3A_213] : memref<8192x768xf32, #tpu.memory_space<hbm>> -> memref<64x768xf32, #tpu.memory_space<hbm>>
      %dma_wait3A_215 = arith.constant 0 : i32
      %dma_wait3A_216 = tpu.memref_slice %arg4[%add3A_177, %dma_wait3A_215] : memref<8192x768xf32, #tpu.memory_space<hbm>> -> memref<64x768xf32, #tpu.memory_space<hbm>>
      tpu.wait_dma2 semaphore(%run_scoped3A : memref<!tpu.dma_semaphore, #tpu.memory_space<semaphore_mem>>) src(%arg6 : memref<64x768xf32, #tpu.memory_space<vmem>>) dst(%dma_wait3A_216 : memref<64x768xf32, #tpu.memory_space<hbm>>)
      tpu.yield
    }) : () -> ()
    %dma_start3A_178 = arith.constant 128 : i32
    %dma_start3A_179 = tpu.memref_slice %arg5[%dma_start3A_178] : memref<256xi32, #tpu.memory_space<vmem>> -> memref<64xi32, #tpu.memory_space<vmem>>
    %dma_start3A_180 = arith.constant 0 : i32
    %dma_start3A_181 = arith.constant 0 : i32
    %dma_start3A_182 = tpu.memref_slice %arg3[%dma_start3A_180, %dma_start3A_181] : memref<8192x768xf32, #tpu.memory_space<hbm>> -> memref<8192x768xf32, #tpu.memory_space<hbm>>
    tpu.enqueue_indirect_dma source(%dma_start3A_182 : memref<8192x768xf32, #tpu.memory_space<hbm>>) target(%arg6 : memref<64x768xf32, #tpu.memory_space<vmem>>) offsets(%dma_start3A_179 : memref<64xi32, #tpu.memory_space<vmem>>) semaphore(%arg8 : memref<!tpu.dma_semaphore, #tpu.memory_space<semaphore_mem>>)
    %dma_wait3A_183 = arith.constant 64 : i32
    %dma_wait3A_184 = tpu.memref_slice %arg5[%dma_wait3A_183] : memref<256xi32, #tpu.memory_space<vmem>> -> memref<64xi32, #tpu.memory_space<vmem>>
    %dma_wait3A_185 = arith.constant 0 : i32
    %dma_wait3A_186 = arith.constant 0 : i32
    %dma_wait3A_187 = tpu.memref_slice %arg3[%dma_wait3A_185, %dma_wait3A_186] : memref<8192x768xf32, #tpu.memory_space<hbm>> -> memref<8192x768xf32, #tpu.memory_space<hbm>>
    tpu.wait_indirect_dma semaphore(%arg9 : memref<!tpu.dma_semaphore, #tpu.memory_space<semaphore_mem>>) src(%dma_wait3A_187 : memref<8192x768xf32, #tpu.memory_space<hbm>>) dst(%arg7 : memref<64x768xf32, #tpu.memory_space<vmem>>)
    %add3A_188 = arith.constant 64 : i32
    %add3A_189 = arith.addi %mul3A_2, %add3A_188 : i32
    "tpu.region"() ({
      %run_scoped3A = tpu.sem_alloc : memref<!tpu.dma_semaphore, #tpu.memory_space<semaphore_mem>>
      %dma_start3A_209 = arith.constant 0 : i32
      %dma_start3A_210 = tpu.memref_slice %arg4[%add3A_189, %dma_start3A_209] : memref<8192x768xf32, #tpu.memory_space<hbm>> -> memref<64x768xf32, #tpu.memory_space<hbm>>
      %dma_start3A_211 = arith.constant 0 : i32
      %dma_start3A_212 = tpu.memref_slice %arg4[%add3A_189, %dma_start3A_211] : memref<8192x768xf32, #tpu.memory_space<hbm>> -> memref<64x768xf32, #tpu.memory_space<hbm>>
      tpu.enqueue_dma source(%arg7 : memref<64x768xf32, #tpu.memory_space<vmem>>) target(%dma_start3A_212 : memref<64x768xf32, #tpu.memory_space<hbm>>) target_semaphore(%run_scoped3A : memref<!tpu.dma_semaphore, #tpu.memory_space<semaphore_mem>>)
      %dma_wait3A_213 = arith.constant 0 : i32
      %dma_wait3A_214 = tpu.memref_slice %arg4[%add3A_189, %dma_wait3A_213] : memref<8192x768xf32, #tpu.memory_space<hbm>> -> memref<64x768xf32, #tpu.memory_space<hbm>>
      %dma_wait3A_215 = arith.constant 0 : i32
      %dma_wait3A_216 = tpu.memref_slice %arg4[%add3A_189, %dma_wait3A_215] : memref<8192x768xf32, #tpu.memory_space<hbm>> -> memref<64x768xf32, #tpu.memory_space<hbm>>
      tpu.wait_dma2 semaphore(%run_scoped3A : memref<!tpu.dma_semaphore, #tpu.memory_space<semaphore_mem>>) src(%arg7 : memref<64x768xf32, #tpu.memory_space<vmem>>) dst(%dma_wait3A_216 : memref<64x768xf32, #tpu.memory_space<hbm>>)
      tpu.yield
    }) : () -> ()
    %dma_start3A_190 = arith.constant 192 : i32
    %dma_start3A_191 = tpu.memref_slice %arg5[%dma_start3A_190] : memref<256xi32, #tpu.memory_space<vmem>> -> memref<64xi32, #tpu.memory_space<vmem>>
    %dma_start3A_192 = arith.constant 0 : i32
    %dma_start3A_193 = arith.constant 0 : i32
    %dma_start3A_194 = tpu.memref_slice %arg3[%dma_start3A_192, %dma_start3A_193] : memref<8192x768xf32, #tpu.memory_space<hbm>> -> memref<8192x768xf32, #tpu.memory_space<hbm>>
    tpu.enqueue_indirect_dma source(%dma_start3A_194 : memref<8192x768xf32, #tpu.memory_space<hbm>>) target(%arg7 : memref<64x768xf32, #tpu.memory_space<vmem>>) offsets(%dma_start3A_191 : memref<64xi32, #tpu.memory_space<vmem>>) semaphore(%arg9 : memref<!tpu.dma_semaphore, #tpu.memory_space<semaphore_mem>>)
    %dma_wait3A_195 = arith.constant 128 : i32
    %dma_wait3A_196 = tpu.memref_slice %arg5[%dma_wait3A_195] : memref<256xi32, #tpu.memory_space<vmem>> -> memref<64xi32, #tpu.memory_space<vmem>>
    %dma_wait3A_197 = arith.constant 0 : i32
    %dma_wait3A_198 = arith.constant 0 : i32
    %dma_wait3A_199 = tpu.memref_slice %arg3[%dma_wait3A_197, %dma_wait3A_198] : memref<8192x768xf32, #tpu.memory_space<hbm>> -> memref<8192x768xf32, #tpu.memory_space<hbm>>
    tpu.wait_indirect_dma semaphore(%arg8 : memref<!tpu.dma_semaphore, #tpu.memory_space<semaphore_mem>>) src(%dma_wait3A_199 : memref<8192x768xf32, #tpu.memory_space<hbm>>) dst(%arg6 : memref<64x768xf32, #tpu.memory_space<vmem>>)
    %add3A_200 = arith.constant 128 : i32
    %add3A_201 = arith.addi %mul3A_2, %add3A_200 : i32
    "tpu.region"() ({
      %run_scoped3A = tpu.sem_alloc : memref<!tpu.dma_semaphore, #tpu.memory_space<semaphore_mem>>
      %dma_start3A_209 = arith.constant 0 : i32
      %dma_start3A_210 = tpu.memref_slice %arg4[%add3A_201, %dma_start3A_209] : memref<8192x768xf32, #tpu.memory_space<hbm>> -> memref<64x768xf32, #tpu.memory_space<hbm>>
      %dma_start3A_211 = arith.constant 0 : i32
      %dma_start3A_212 = tpu.memref_slice %arg4[%add3A_201, %dma_start3A_211] : memref<8192x768xf32, #tpu.memory_space<hbm>> -> memref<64x768xf32, #tpu.memory_space<hbm>>
      tpu.enqueue_dma source(%arg6 : memref<64x768xf32, #tpu.memory_space<vmem>>) target(%dma_start3A_212 : memref<64x768xf32, #tpu.memory_space<hbm>>) target_semaphore(%run_scoped3A : memref<!tpu.dma_semaphore, #tpu.memory_space<semaphore_mem>>)
      %dma_wait3A_213 = arith.constant 0 : i32
      %dma_wait3A_214 = tpu.memref_slice %arg4[%add3A_201, %dma_wait3A_213] : memref<8192x768xf32, #tpu.memory_space<hbm>> -> memref<64x768xf32, #tpu.memory_space<hbm>>
      %dma_wait3A_215 = arith.constant 0 : i32
      %dma_wait3A_216 = tpu.memref_slice %arg4[%add3A_201, %dma_wait3A_215] : memref<8192x768xf32, #tpu.memory_space<hbm>> -> memref<64x768xf32, #tpu.memory_space<hbm>>
      tpu.wait_dma2 semaphore(%run_scoped3A : memref<!tpu.dma_semaphore, #tpu.memory_space<semaphore_mem>>) src(%arg6 : memref<64x768xf32, #tpu.memory_space<vmem>>) dst(%dma_wait3A_216 : memref<64x768xf32, #tpu.memory_space<hbm>>)
      tpu.yield
    }) : () -> ()
    %dma_wait3A_202 = arith.constant 192 : i32
    %dma_wait3A_203 = tpu.memref_slice %arg5[%dma_wait3A_202] : memref<256xi32, #tpu.memory_space<vmem>> -> memref<64xi32, #tpu.memory_space<vmem>>
    %dma_wait3A_204 = arith.constant 0 : i32
    %dma_wait3A_205 = arith.constant 0 : i32
    %dma_wait3A_206 = tpu.memref_slice %arg3[%dma_wait3A_204, %dma_wait3A_205] : memref<8192x768xf32, #tpu.memory_space<hbm>> -> memref<8192x768xf32, #tpu.memory_space<hbm>>
    tpu.wait_indirect_dma semaphore(%arg9 : memref<!tpu.dma_semaphore, #tpu.memory_space<semaphore_mem>>) src(%dma_wait3A_206 : memref<8192x768xf32, #tpu.memory_space<hbm>>) dst(%arg7 : memref<64x768xf32, #tpu.memory_space<vmem>>)
    %add3A_207 = arith.constant 192 : i32
    %add3A_208 = arith.addi %mul3A_2, %add3A_207 : i32
    "tpu.region"() ({
      %run_scoped3A = tpu.sem_alloc : memref<!tpu.dma_semaphore, #tpu.memory_space<semaphore_mem>>
      %dma_start3A_209 = arith.constant 0 : i32
      %dma_start3A_210 = tpu.memref_slice %arg4[%add3A_208, %dma_start3A_209] : memref<8192x768xf32, #tpu.memory_space<hbm>> -> memref<64x768xf32, #tpu.memory_space<hbm>>
      %dma_start3A_211 = arith.constant 0 : i32
      %dma_start3A_212 = tpu.memref_slice %arg4[%add3A_208, %dma_start3A_211] : memref<8192x768xf32, #tpu.memory_space<hbm>> -> memref<64x768xf32, #tpu.memory_space<hbm>>
      tpu.enqueue_dma source(%arg7 : memref<64x768xf32, #tpu.memory_space<vmem>>) target(%dma_start3A_212 : memref<64x768xf32, #tpu.memory_space<hbm>>) target_semaphore(%run_scoped3A : memref<!tpu.dma_semaphore, #tpu.memory_space<semaphore_mem>>)
      %dma_wait3A_213 = arith.constant 0 : i32
      %dma_wait3A_214 = tpu.memref_slice %arg4[%add3A_208, %dma_wait3A_213] : memref<8192x768xf32, #tpu.memory_space<hbm>> -> memref<64x768xf32, #tpu.memory_space<hbm>>
      %dma_wait3A_215 = arith.constant 0 : i32
      %dma_wait3A_216 = tpu.memref_slice %arg4[%add3A_208, %dma_wait3A_215] : memref<8192x768xf32, #tpu.memory_space<hbm>> -> memref<64x768xf32, #tpu.memory_space<hbm>>
      tpu.wait_dma2 semaphore(%run_scoped3A : memref<!tpu.dma_semaphore, #tpu.memory_space<semaphore_mem>>) src(%arg7 : memref<64x768xf32, #tpu.memory_space<vmem>>) dst(%dma_wait3A_216 : memref<64x768xf32, #tpu.memory_space<hbm>>)
      tpu.yield
    }) : () -> ()
    return
  }
}

#map = affine_map<(d0, d1) -> (0)>
#map1 = affine_map<(d0, d1) -> (0, 0)>
module attributes {stable_mosaic.version = 14 : i64} {
  func.func @_sc_gather_body(%arg0: i32, %arg1: i32, %arg2: memref<8192xi32, #tpu.memory_space<hbm>>, %arg3: memref<8192x768xf32, #tpu.memory_space<hbm>>, %arg4: memref<8192x768xf32, #tpu.memory_space<hbm>>, %arg5: memref<256xi32, #tpu.memory_space<vmem>>, %arg6: memref<64x768xf32, #tpu.memory_space<vmem>>, %arg7: memref<64x768xf32, #tpu.memory_space<vmem>>, %arg8: memref<!tpu.dma_semaphore, #tpu.memory_space<semaphore_mem>>, %arg9: memref<!tpu.dma_semaphore, #tpu.memory_space<semaphore_mem>>) attributes {dimension_semantics = [#tpu.dimension_semantics<core_parallel>, #tpu.dimension_semantics<subcore_parallel>], iteration_bounds = array<i64: 2, 16>, scalar_prefetch = 0 : i64, scratch_operands = 5 : i64, tpu.core_type = #tpu.core_type<sc_vector_subcore>, window_params = [{transform_indices = #map}, {transform_indices = #map1}, {transform_indices = #map1}]} {
    %mul3A = arith.constant 2 : i32
    %mul3A_0 = arith.muli %arg1, %mul3A : i32
    %add3A = arith.addi %mul3A_0, %arg0 : i32
    %mul3A_1 = arith.constant 256 : i32
    %mul3A_2 = arith.muli %add3A, %mul3A_1 : i32
    "tpu.region"() ({
      %run_scoped3A = tpu.sem_alloc : memref<!tpu.dma_semaphore, #tpu.memory_space<semaphore_mem>>
      %dma_start3A_209 = tpu.memref_slice %arg2[%mul3A_2] : memref<8192xi32, #tpu.memory_space<hbm>> -> memref<256xi32, #tpu.memory_space<hbm>>
      %dma_start3A_210 = tpu.memref_slice %arg2[%mul3A_2] : memref<8192xi32, #tpu.memory_space<hbm>> -> memref<256xi32, #tpu.memory_space<hbm>>
      tpu.enqueue_dma source(%dma_start3A_210 : memref<256xi32, #tpu.memory_space<hbm>>) target(%arg5 : memref<256xi32, #tpu.memory_space<vmem>>) target_semaphore(%run_scoped3A : memref<!tpu.dma_semaphore, #tpu.memory_space<semaphore_mem>>)
      %dma_wait3A_211 = tpu.memref_slice %arg2[%mul3A_2] : memref<8192xi32, #tpu.memory_space<hbm>> -> memref<256xi32, #tpu.memory_space<hbm>>
      %dma_wait3A_212 = tpu.memref_slice %arg2[%mul3A_2] : memref<8192xi32, #tpu.memory_space<hbm>> -> memref<256xi32, #tpu.memory_space<hbm>>
      tpu.wait_dma2 semaphore(%run_scoped3A : memref<!tpu.dma_semaphore, #tpu.memory_space<semaphore_mem>>) src(%dma_wait3A_212 : memref<256xi32, #tpu.memory_space<hbm>>) dst(%arg5 : memref<256xi32, #tpu.memory_space<vmem>>)
      tpu.yield
    }) : () -> ()
    %jit3A = arith.constant 2048 : i32
    %div3A = arith.divsi %mul3A_2, %jit3A : i32
    %sign3A = arith.constant 0 : i32
    %sign3A_3 = arith.cmpi sgt, %mul3A_2, %sign3A : i32
    %sign3A_4 = arith.extui %sign3A_3 : i1 to i32
    %sign3A_5 = arith.constant 0 : i32
    %sign3A_6 = arith.cmpi slt, %mul3A_2, %sign3A_5 : i32
    %sign3A_7 = arith.extui %sign3A_6 : i1 to i32
    %sign3A_8 = arith.subi %sign3A_4, %sign3A_7 : i32
    %sign3A_9 = arith.constant 0 : i32
    %sign3A_10 = arith.cmpi sgt, %jit3A, %sign3A_9 : i32
    %sign3A_11 = arith.extui %sign3A_10 : i1 to i32
    %sign3A_12 = arith.constant 0 : i32
    %sign3A_13 = arith.cmpi slt, %jit3A, %sign3A_12 : i32
    %sign3A_14 = arith.extui %sign3A_13 : i1 to i32
    %sign3A_15 = arith.subi %sign3A_11, %sign3A_14 : i32
    %ne3A = arith.cmpi ne, %sign3A_8, %sign3A_15 : i32
    %rem3A = arith.remsi %mul3A_2, %jit3A : i32
    %ne3A_16 = arith.constant 0 : i32
    %ne3A_17 = arith.cmpi ne, %rem3A, %ne3A_16 : i32
    %and3A = arith.andi %ne3A, %ne3A_17 : i1
    %sub3A = arith.constant 1 : i32
    %sub3A_18 = arith.subi %div3A, %sub3A : i32
    %select_n3A = arith.select %and3A, %sub3A_18, %div3A : i32
    %mul3A_19 = arith.constant 2048 : i32
    %mul3A_20 = arith.muli %select_n3A, %mul3A_19 : i32
    %get3A = arith.constant 0 : index
    %get3A_21 = tpu.vector_load %arg5[%get3A] {strides = array<i32>} : memref<256xi32, #tpu.memory_space<vmem>>, vector<16xi32>,
    %get3A_22 = vector.shape_cast %get3A_21 : vector<16xi32> to vector<16xi32>
    %add3A_23 = vector.broadcast %mul3A_20 : i32 to vector<16xi32>
    %add3A_24 = arith.addi %get3A_22, %add3A_23 : vector<16xi32>
    %swap3A = arith.constant 0 : index
    %swap3A_25 = tpu.vector_load %arg5[%swap3A] {strides = array<i32>} : memref<256xi32, #tpu.memory_space<vmem>>, vector<16xi32>,
    %swap3A_26 = vector.shape_cast %swap3A_25 : vector<16xi32> to vector<16xi32>
    %swap3A_27 = vector.shape_cast %add3A_24 : vector<16xi32> to vector<16xi32>
    tpu.vector_store %arg5[%swap3A], %swap3A_27 {strides = array<i32>} : memref<256xi32, #tpu.memory_space<vmem>>, vector<16xi32>,
    %get3A_28 = arith.constant 16 : index
    %get3A_29 = tpu.vector_load %arg5[%get3A_28] {strides = array<i32>} : memref<256xi32, #tpu.memory_space<vmem>>, vector<16xi32>,
    %get3A_30 = vector.shape_cast %get3A_29 : vector<16xi32> to vector<16xi32>
    %add3A_31 = vector.broadcast %mul3A_20 : i32 to vector<16xi32>
    %add3A_32 = arith.addi %get3A_30, %add3A_31 : vector<16xi32>
    %swap3A_33 = arith.constant 16 : index
    %swap3A_34 = tpu.vector_load %arg5[%swap3A_33] {strides = array<i32>} : memref<256xi32, #tpu.memory_space<vmem>>, vector<16xi32>,
    %swap3A_35 = vector.shape_cast %swap3A_34 : vector<16xi32> to vector<16xi32>
    %swap3A_36 = vector.shape_cast %add3A_32 : vector<16xi32> to vector<16xi32>
    tpu.vector_store %arg5[%swap3A_33], %swap3A_36 {strides = array<i32>} : memref<256xi32, #tpu.memory_space<vmem>>, vector<16xi32>,
    %get3A_37 = arith.constant 32 : index
    %get3A_38 = tpu.vector_load %arg5[%get3A_37] {strides = array<i32>} : memref<256xi32, #tpu.memory_space<vmem>>, vector<16xi32>,
    %get3A_39 = vector.shape_cast %get3A_38 : vector<16xi32> to vector<16xi32>
    %add3A_40 = vector.broadcast %mul3A_20 : i32 to vector<16xi32>
    %add3A_41 = arith.addi %get3A_39, %add3A_40 : vector<16xi32>
    %swap3A_42 = arith.constant 32 : index
    %swap3A_43 = tpu.vector_load %arg5[%swap3A_42] {strides = array<i32>} : memref<256xi32, #tpu.memory_space<vmem>>, vector<16xi32>,
    %swap3A_44 = vector.shape_cast %swap3A_43 : vector<16xi32> to vector<16xi32>
    %swap3A_45 = vector.shape_cast %add3A_41 : vector<16xi32> to vector<16xi32>
    tpu.vector_store %arg5[%swap3A_42], %swap3A_45 {strides = array<i32>} : memref<256xi32, #tpu.memory_space<vmem>>, vector<16xi32>,
    %get3A_46 = arith.constant 48 : index
    %get3A_47 = tpu.vector_load %arg5[%get3A_46] {strides = array<i32>} : memref<256xi32, #tpu.memory_space<vmem>>, vector<16xi32>,
    %get3A_48 = vector.shape_cast %get3A_47 : vector<16xi32> to vector<16xi32>
    %add3A_49 = vector.broadcast %mul3A_20 : i32 to vector<16xi32>
    %add3A_50 = arith.addi %get3A_48, %add3A_49 : vector<16xi32>
    %swap3A_51 = arith.constant 48 : index
    %swap3A_52 = tpu.vector_load %arg5[%swap3A_51] {strides = array<i32>} : memref<256xi32, #tpu.memory_space<vmem>>, vector<16xi32>,
    %swap3A_53 = vector.shape_cast %swap3A_52 : vector<16xi32> to vector<16xi32>
    %swap3A_54 = vector.shape_cast %add3A_50 : vector<16xi32> to vector<16xi32>
    tpu.vector_store %arg5[%swap3A_51], %swap3A_54 {strides = array<i32>} : memref<256xi32, #tpu.memory_space<vmem>>, vector<16xi32>,
    %get3A_55 = arith.constant 64 : index
    %get3A_56 = tpu.vector_load %arg5[%get3A_55] {strides = array<i32>} : memref<256xi32, #tpu.memory_space<vmem>>, vector<16xi32>,
    %get3A_57 = vector.shape_cast %get3A_56 : vector<16xi32> to vector<16xi32>
    %add3A_58 = vector.broadcast %mul3A_20 : i32 to vector<16xi32>
    %add3A_59 = arith.addi %get3A_57, %add3A_58 : vector<16xi32>
    %swap3A_60 = arith.constant 64 : index
    %swap3A_61 = tpu.vector_load %arg5[%swap3A_60] {strides = array<i32>} : memref<256xi32, #tpu.memory_space<vmem>>, vector<16xi32>,
    %swap3A_62 = vector.shape_cast %swap3A_61 : vector<16xi32> to vector<16xi32>
    %swap3A_63 = vector.shape_cast %add3A_59 : vector<16xi32> to vector<16xi32>
    tpu.vector_store %arg5[%swap3A_60], %swap3A_63 {strides = array<i32>} : memref<256xi32, #tpu.memory_space<vmem>>, vector<16xi32>,
    %get3A_64 = arith.constant 80 : index
    %get3A_65 = tpu.vector_load %arg5[%get3A_64] {strides = array<i32>} : memref<256xi32, #tpu.memory_space<vmem>>, vector<16xi32>,
    %get3A_66 = vector.shape_cast %get3A_65 : vector<16xi32> to vector<16xi32>
    %add3A_67 = vector.broadcast %mul3A_20 : i32 to vector<16xi32>
    %add3A_68 = arith.addi %get3A_66, %add3A_67 : vector<16xi32>
    %swap3A_69 = arith.constant 80 : index
    %swap3A_70 = tpu.vector_load %arg5[%swap3A_69] {strides = array<i32>} : memref<256xi32, #tpu.memory_space<vmem>>, vector<16xi32>,
    %swap3A_71 = vector.shape_cast %swap3A_70 : vector<16xi32> to vector<16xi32>
    %swap3A_72 = vector.shape_cast %add3A_68 : vector<16xi32> to vector<16xi32>
    tpu.vector_store %arg5[%swap3A_69], %swap3A_72 {strides = array<i32>} : memref<256xi32, #tpu.memory_space<vmem>>, vector<16xi32>,
    %get3A_73 = arith.constant 96 : index
    %get3A_74 = tpu.vector_load %arg5[%get3A_73] {strides = array<i32>} : memref<256xi32, #tpu.memory_space<vmem>>, vector<16xi32>,
    %get3A_75 = vector.shape_cast %get3A_74 : vector<16xi32> to vector<16xi32>
    %add3A_76 = vector.broadcast %mul3A_20 : i32 to vector<16xi32>
    %add3A_77 = arith.addi %get3A_75, %add3A_76 : vector<16xi32>
    %swap3A_78 = arith.constant 96 : index
    %swap3A_79 = tpu.vector_load %arg5[%swap3A_78] {strides = array<i32>} : memref<256xi32, #tpu.memory_space<vmem>>, vector<16xi32>,
    %swap3A_80 = vector.shape_cast %swap3A_79 : vector<16xi32> to vector<16xi32>
    %swap3A_81 = vector.shape_cast %add3A_77 : vector<16xi32> to vector<16xi32>
    tpu.vector_store %arg5[%swap3A_78], %swap3A_81 {strides = array<i32>} : memref<256xi32, #tpu.memory_space<vmem>>, vector<16xi32>,
    %get3A_82 = arith.constant 112 : index
    %get3A_83 = tpu.vector_load %arg5[%get3A_82] {strides = array<i32>} : memref<256xi32, #tpu.memory_space<vmem>>, vector<16xi32>,
    %get3A_84 = vector.shape_cast %get3A_83 : vector<16xi32> to vector<16xi32>
    %add3A_85 = vector.broadcast %mul3A_20 : i32 to vector<16xi32>
    %add3A_86 = arith.addi %get3A_84, %add3A_85 : vector<16xi32>
    %swap3A_87 = arith.constant 112 : index
    %swap3A_88 = tpu.vector_load %arg5[%swap3A_87] {strides = array<i32>} : memref<256xi32, #tpu.memory_space<vmem>>, vector<16xi32>,
    %swap3A_89 = vector.shape_cast %swap3A_88 : vector<16xi32> to vector<16xi32>
    %swap3A_90 = vector.shape_cast %add3A_86 : vector<16xi32> to vector<16xi32>
    tpu.vector_store %arg5[%swap3A_87], %swap3A_90 {strides = array<i32>} : memref<256xi32, #tpu.memory_space<vmem>>, vector<16xi32>,
    %get3A_91 = arith.constant 128 : index
    %get3A_92 = tpu.vector_load %arg5[%get3A_91] {strides = array<i32>} : memref<256xi32, #tpu.memory_space<vmem>>, vector<16xi32>,
    %get3A_93 = vector.shape_cast %get3A_92 : vector<16xi32> to vector<16xi32>
    %add3A_94 = vector.broadcast %mul3A_20 : i32 to vector<16xi32>
    %add3A_95 = arith.addi %get3A_93, %add3A_94 : vector<16xi32>
    %swap3A_96 = arith.constant 128 : index
    %swap3A_97 = tpu.vector_load %arg5[%swap3A_96] {strides = array<i32>} : memref<256xi32, #tpu.memory_space<vmem>>, vector<16xi32>,
    %swap3A_98 = vector.shape_cast %swap3A_97 : vector<16xi32> to vector<16xi32>
    %swap3A_99 = vector.shape_cast %add3A_95 : vector<16xi32> to vector<16xi32>
    tpu.vector_store %arg5[%swap3A_96], %swap3A_99 {strides = array<i32>} : memref<256xi32, #tpu.memory_space<vmem>>, vector<16xi32>,
    %get3A_100 = arith.constant 144 : index
    %get3A_101 = tpu.vector_load %arg5[%get3A_100] {strides = array<i32>} : memref<256xi32, #tpu.memory_space<vmem>>, vector<16xi32>,
    %get3A_102 = vector.shape_cast %get3A_101 : vector<16xi32> to vector<16xi32>
    %add3A_103 = vector.broadcast %mul3A_20 : i32 to vector<16xi32>
    %add3A_104 = arith.addi %get3A_102, %add3A_103 : vector<16xi32>
    %swap3A_105 = arith.constant 144 : index
    %swap3A_106 = tpu.vector_load %arg5[%swap3A_105] {strides = array<i32>} : memref<256xi32, #tpu.memory_space<vmem>>, vector<16xi32>,
    %swap3A_107 = vector.shape_cast %swap3A_106 : vector<16xi32> to vector<16xi32>
    %swap3A_108 = vector.shape_cast %add3A_104 : vector<16xi32> to vector<16xi32>
    tpu.vector_store %arg5[%swap3A_105], %swap3A_108 {strides = array<i32>} : memref<256xi32, #tpu.memory_space<vmem>>, vector<16xi32>,
    %get3A_109 = arith.constant 160 : index
    %get3A_110 = tpu.vector_load %arg5[%get3A_109] {strides = array<i32>} : memref<256xi32, #tpu.memory_space<vmem>>, vector<16xi32>,
    %get3A_111 = vector.shape_cast %get3A_110 : vector<16xi32> to vector<16xi32>
    %add3A_112 = vector.broadcast %mul3A_20 : i32 to vector<16xi32>
    %add3A_113 = arith.addi %get3A_111, %add3A_112 : vector<16xi32>
    %swap3A_114 = arith.constant 160 : index
    %swap3A_115 = tpu.vector_load %arg5[%swap3A_114] {strides = array<i32>} : memref<256xi32, #tpu.memory_space<vmem>>, vector<16xi32>,
    %swap3A_116 = vector.shape_cast %swap3A_115 : vector<16xi32> to vector<16xi32>
    %swap3A_117 = vector.shape_cast %add3A_113 : vector<16xi32> to vector<16xi32>
    tpu.vector_store %arg5[%swap3A_114], %swap3A_117 {strides = array<i32>} : memref<256xi32, #tpu.memory_space<vmem>>, vector<16xi32>,
    %get3A_118 = arith.constant 176 : index
    %get3A_119 = tpu.vector_load %arg5[%get3A_118] {strides = array<i32>} : memref<256xi32, #tpu.memory_space<vmem>>, vector<16xi32>,
    %get3A_120 = vector.shape_cast %get3A_119 : vector<16xi32> to vector<16xi32>
    %add3A_121 = vector.broadcast %mul3A_20 : i32 to vector<16xi32>
    %add3A_122 = arith.addi %get3A_120, %add3A_121 : vector<16xi32>
    %swap3A_123 = arith.constant 176 : index
    %swap3A_124 = tpu.vector_load %arg5[%swap3A_123] {strides = array<i32>} : memref<256xi32, #tpu.memory_space<vmem>>, vector<16xi32>,
    %swap3A_125 = vector.shape_cast %swap3A_124 : vector<16xi32> to vector<16xi32>
    %swap3A_126 = vector.shape_cast %add3A_122 : vector<16xi32> to vector<16xi32>
    tpu.vector_store %arg5[%swap3A_123], %swap3A_126 {strides = array<i32>} : memref<256xi32, #tpu.memory_space<vmem>>, vector<16xi32>,
    %get3A_127 = arith.constant 192 : index
    %get3A_128 = tpu.vector_load %arg5[%get3A_127] {strides = array<i32>} : memref<256xi32, #tpu.memory_space<vmem>>, vector<16xi32>,
    %get3A_129 = vector.shape_cast %get3A_128 : vector<16xi32> to vector<16xi32>
    %add3A_130 = vector.broadcast %mul3A_20 : i32 to vector<16xi32>
    %add3A_131 = arith.addi %get3A_129, %add3A_130 : vector<16xi32>
    %swap3A_132 = arith.constant 192 : index
    %swap3A_133 = tpu.vector_load %arg5[%swap3A_132] {strides = array<i32>} : memref<256xi32, #tpu.memory_space<vmem>>, vector<16xi32>,
    %swap3A_134 = vector.shape_cast %swap3A_133 : vector<16xi32> to vector<16xi32>
    %swap3A_135 = vector.shape_cast %add3A_131 : vector<16xi32> to vector<16xi32>
    tpu.vector_store %arg5[%swap3A_132], %swap3A_135 {strides = array<i32>} : memref<256xi32, #tpu.memory_space<vmem>>, vector<16xi32>,
    %get3A_136 = arith.constant 208 : index
    %get3A_137 = tpu.vector_load %arg5[%get3A_136] {strides = array<i32>} : memref<256xi32, #tpu.memory_space<vmem>>, vector<16xi32>,
    %get3A_138 = vector.shape_cast %get3A_137 : vector<16xi32> to vector<16xi32>
    %add3A_139 = vector.broadcast %mul3A_20 : i32 to vector<16xi32>
    %add3A_140 = arith.addi %get3A_138, %add3A_139 : vector<16xi32>
    %swap3A_141 = arith.constant 208 : index
    %swap3A_142 = tpu.vector_load %arg5[%swap3A_141] {strides = array<i32>} : memref<256xi32, #tpu.memory_space<vmem>>, vector<16xi32>,
    %swap3A_143 = vector.shape_cast %swap3A_142 : vector<16xi32> to vector<16xi32>
    %swap3A_144 = vector.shape_cast %add3A_140 : vector<16xi32> to vector<16xi32>
    tpu.vector_store %arg5[%swap3A_141], %swap3A_144 {strides = array<i32>} : memref<256xi32, #tpu.memory_space<vmem>>, vector<16xi32>,
    %get3A_145 = arith.constant 224 : index
    %get3A_146 = tpu.vector_load %arg5[%get3A_145] {strides = array<i32>} : memref<256xi32, #tpu.memory_space<vmem>>, vector<16xi32>,
    %get3A_147 = vector.shape_cast %get3A_146 : vector<16xi32> to vector<16xi32>
    %add3A_148 = vector.broadcast %mul3A_20 : i32 to vector<16xi32>
    %add3A_149 = arith.addi %get3A_147, %add3A_148 : vector<16xi32>
    %swap3A_150 = arith.constant 224 : index
    %swap3A_151 = tpu.vector_load %arg5[%swap3A_150] {strides = array<i32>} : memref<256xi32, #tpu.memory_space<vmem>>, vector<16xi32>,
    %swap3A_152 = vector.shape_cast %swap3A_151 : vector<16xi32> to vector<16xi32>
    %swap3A_153 = vector.shape_cast %add3A_149 : vector<16xi32> to vector<16xi32>
    tpu.vector_store %arg5[%swap3A_150], %swap3A_153 {strides = array<i32>} : memref<256xi32, #tpu.memory_space<vmem>>, vector<16xi32>,
    %get3A_154 = arith.constant 240 : index
    %get3A_155 = tpu.vector_load %arg5[%get3A_154] {strides = array<i32>} : memref<256xi32, #tpu.memory_space<vmem>>, vector<16xi32>,
    %get3A_156 = vector.shape_cast %get3A_155 : vector<16xi32> to vector<16xi32>
    %add3A_157 = vector.broadcast %mul3A_20 : i32 to vector<16xi32>
    %add3A_158 = arith.addi %get3A_156, %add3A_157 : vector<16xi32>
    %swap3A_159 = arith.constant 240 : index
    %swap3A_160 = tpu.vector_load %arg5[%swap3A_159] {strides = array<i32>} : memref<256xi32, #tpu.memory_space<vmem>>, vector<16xi32>,
    %swap3A_161 = vector.shape_cast %swap3A_160 : vector<16xi32> to vector<16xi32>
    %swap3A_162 = vector.shape_cast %add3A_158 : vector<16xi32> to vector<16xi32>
    tpu.vector_store %arg5[%swap3A_159], %swap3A_162 {strides = array<i32>} : memref<256xi32, #tpu.memory_space<vmem>>, vector<16xi32>,
    %dma_start3A = arith.constant 0 : i32
    %dma_start3A_163 = tpu.memref_slice %arg5[%dma_start3A] : memref<256xi32, #tpu.memory_space<vmem>> -> memref<64xi32, #tpu.memory_space<vmem>>
    %dma_start3A_164 = arith.constant 0 : i32
    %dma_start3A_165 = arith.constant 0 : i32
    %dma_start3A_166 = tpu.memref_slice %arg3[%dma_start3A_164, %dma_start3A_165] : memref<8192x768xf32, #tpu.memory_space<hbm>> -> memref<8192x768xf32, #tpu.memory_space<hbm>>
    tpu.enqueue_indirect_dma source(%dma_start3A_166 : memref<8192x768xf32, #tpu.memory_space<hbm>>) target(%arg6 : memref<64x768xf32, #tpu.memory_space<vmem>>) offsets(%dma_start3A_163 : memref<64xi32, #tpu.memory_space<vmem>>) semaphore(%arg8 : memref<!tpu.dma_semaphore, #tpu.memory_space<semaphore_mem>>)
    %dma_start3A_167 = arith.constant 64 : i32
    %dma_start3A_168 = tpu.memref_slice %arg5[%dma_start3A_167] : memref<256xi32, #tpu.memory_space<vmem>> -> memref<64xi32, #tpu.memory_space<vmem>>
    %dma_start3A_169 = arith.constant 0 : i32
    %dma_start3A_170 = arith.constant 0 : i32
    %dma_start3A_171 = tpu.memref_slice %arg3[%dma_start3A_169, %dma_start3A_170] : memref<8192x768xf32, #tpu.memory_space<hbm>> -> memref<8192x768xf32, #tpu.memory_space<hbm>>
    tpu.enqueue_indirect_dma source(%dma_start3A_171 : memref<8192x768xf32, #tpu.memory_space<hbm>>) target(%arg7 : memref<64x768xf32, #tpu.memory_space<vmem>>) offsets(%dma_start3A_168 : memref<64xi32, #tpu.memory_space<vmem>>) semaphore(%arg9 : memref<!tpu.dma_semaphore, #tpu.memory_space<semaphore_mem>>)
    %dma_wait3A = arith.constant 0 : i32
    %dma_wait3A_172 = tpu.memref_slice %arg5[%dma_wait3A] : memref<256xi32, #tpu.memory_space<vmem>> -> memref<64xi32, #tpu.memory_space<vmem>>
    %dma_wait3A_173 = arith.constant 0 : i32
    %dma_wait3A_174 = arith.constant 0 : i32
    %dma_wait3A_175 = tpu.memref_slice %arg3[%dma_wait3A_173, %dma_wait3A_174] : memref<8192x768xf32, #tpu.memory_space<hbm>> -> memref<8192x768xf32, #tpu.memory_space<hbm>>
    tpu.wait_indirect_dma semaphore(%arg8 : memref<!tpu.dma_semaphore, #tpu.memory_space<semaphore_mem>>) src(%dma_wait3A_175 : memref<8192x768xf32, #tpu.memory_space<hbm>>) dst(%arg6 : memref<64x768xf32, #tpu.memory_space<vmem>>)
    %add3A_176 = arith.constant 0 : i32
    %add3A_177 = arith.addi %mul3A_2, %add3A_176 : i32
    "tpu.region"() ({
      %run_scoped3A = tpu.sem_alloc : memref<!tpu.dma_semaphore, #tpu.memory_space<semaphore_mem>>
      %dma_start3A_209 = arith.constant 0 : i32
      %dma_start3A_210 = tpu.memref_slice %arg4[%add3A_177, %dma_start3A_209] : memref<8192x768xf32, #tpu.memory_space<hbm>> -> memref<64x768xf32, #tpu.memory_space<hbm>>
      %dma_start3A_211 = arith.constant 0 : i32
      %dma_start3A_212 = tpu.memref_slice %arg4[%add3A_177, %dma_start3A_211] : memref<8192x768xf32, #tpu.memory_space<hbm>> -> memref<64x768xf32, #tpu.memory_space<hbm>>
      tpu.enqueue_dma source(%arg6 : memref<64x768xf32, #tpu.memory_space<vmem>>) target(%dma_start3A_212 : memref<64x768xf32, #tpu.memory_space<hbm>>) target_semaphore(%run_scoped3A : memref<!tpu.dma_semaphore, #tpu.memory_space<semaphore_mem>>)
      %dma_wait3A_213 = arith.constant 0 : i32
      %dma_wait3A_214 = tpu.memref_slice %arg4[%add3A_177, %dma_wait3A_213] : memref<8192x768xf32, #tpu.memory_space<hbm>> -> memref<64x768xf32, #tpu.memory_space<hbm>>
      %dma_wait3A_215 = arith.constant 0 : i32
      %dma_wait3A_216 = tpu.memref_slice %arg4[%add3A_177, %dma_wait3A_215] : memref<8192x768xf32, #tpu.memory_space<hbm>> -> memref<64x768xf32, #tpu.memory_space<hbm>>
      tpu.wait_dma2 semaphore(%run_scoped3A : memref<!tpu.dma_semaphore, #tpu.memory_space<semaphore_mem>>) src(%arg6 : memref<64x768xf32, #tpu.memory_space<vmem>>) dst(%dma_wait3A_216 : memref<64x768xf32, #tpu.memory_space<hbm>>)
      tpu.yield
    }) : () -> ()
    %dma_start3A_178 = arith.constant 128 : i32
    %dma_start3A_179 = tpu.memref_slice %arg5[%dma_start3A_178] : memref<256xi32, #tpu.memory_space<vmem>> -> memref<64xi32, #tpu.memory_space<vmem>>
    %dma_start3A_180 = arith.constant 0 : i32
    %dma_start3A_181 = arith.constant 0 : i32
    %dma_start3A_182 = tpu.memref_slice %arg3[%dma_start3A_180, %dma_start3A_181] : memref<8192x768xf32, #tpu.memory_space<hbm>> -> memref<8192x768xf32, #tpu.memory_space<hbm>>
    tpu.enqueue_indirect_dma source(%dma_start3A_182 : memref<8192x768xf32, #tpu.memory_space<hbm>>) target(%arg6 : memref<64x768xf32, #tpu.memory_space<vmem>>) offsets(%dma_start3A_179 : memref<64xi32, #tpu.memory_space<vmem>>) semaphore(%arg8 : memref<!tpu.dma_semaphore, #tpu.memory_space<semaphore_mem>>)
    %dma_wait3A_183 = arith.constant 64 : i32
    %dma_wait3A_184 = tpu.memref_slice %arg5[%dma_wait3A_183] : memref<256xi32, #tpu.memory_space<vmem>> -> memref<64xi32, #tpu.memory_space<vmem>>
    %dma_wait3A_185 = arith.constant 0 : i32
    %dma_wait3A_186 = arith.constant 0 : i32
    %dma_wait3A_187 = tpu.memref_slice %arg3[%dma_wait3A_185, %dma_wait3A_186] : memref<8192x768xf32, #tpu.memory_space<hbm>> -> memref<8192x768xf32, #tpu.memory_space<hbm>>
    tpu.wait_indirect_dma semaphore(%arg9 : memref<!tpu.dma_semaphore, #tpu.memory_space<semaphore_mem>>) src(%dma_wait3A_187 : memref<8192x768xf32, #tpu.memory_space<hbm>>) dst(%arg7 : memref<64x768xf32, #tpu.memory_space<vmem>>)
    %add3A_188 = arith.constant 64 : i32
    %add3A_189 = arith.addi %mul3A_2, %add3A_188 : i32
    "tpu.region"() ({
      %run_scoped3A = tpu.sem_alloc : memref<!tpu.dma_semaphore, #tpu.memory_space<semaphore_mem>>
      %dma_start3A_209 = arith.constant 0 : i32
      %dma_start3A_210 = tpu.memref_slice %arg4[%add3A_189, %dma_start3A_209] : memref<8192x768xf32, #tpu.memory_space<hbm>> -> memref<64x768xf32, #tpu.memory_space<hbm>>
      %dma_start3A_211 = arith.constant 0 : i32
      %dma_start3A_212 = tpu.memref_slice %arg4[%add3A_189, %dma_start3A_211] : memref<8192x768xf32, #tpu.memory_space<hbm>> -> memref<64x768xf32, #tpu.memory_space<hbm>>
      tpu.enqueue_dma source(%arg7 : memref<64x768xf32, #tpu.memory_space<vmem>>) target(%dma_start3A_212 : memref<64x768xf32, #tpu.memory_space<hbm>>) target_semaphore(%run_scoped3A : memref<!tpu.dma_semaphore, #tpu.memory_space<semaphore_mem>>)
      %dma_wait3A_213 = arith.constant 0 : i32
      %dma_wait3A_214 = tpu.memref_slice %arg4[%add3A_189, %dma_wait3A_213] : memref<8192x768xf32, #tpu.memory_space<hbm>> -> memref<64x768xf32, #tpu.memory_space<hbm>>
      %dma_wait3A_215 = arith.constant 0 : i32
      %dma_wait3A_216 = tpu.memref_slice %arg4[%add3A_189, %dma_wait3A_215] : memref<8192x768xf32, #tpu.memory_space<hbm>> -> memref<64x768xf32, #tpu.memory_space<hbm>>
      tpu.wait_dma2 semaphore(%run_scoped3A : memref<!tpu.dma_semaphore, #tpu.memory_space<semaphore_mem>>) src(%arg7 : memref<64x768xf32, #tpu.memory_space<vmem>>) dst(%dma_wait3A_216 : memref<64x768xf32, #tpu.memory_space<hbm>>)
      tpu.yield
    }) : () -> ()
    %dma_start3A_190 = arith.constant 192 : i32
    %dma_start3A_191 = tpu.memref_slice %arg5[%dma_start3A_190] : memref<256xi32, #tpu.memory_space<vmem>> -> memref<64xi32, #tpu.memory_space<vmem>>
    %dma_start3A_192 = arith.constant 0 : i32
    %dma_start3A_193 = arith.constant 0 : i32
    %dma_start3A_194 = tpu.memref_slice %arg3[%dma_start3A_192, %dma_start3A_193] : memref<8192x768xf32, #tpu.memory_space<hbm>> -> memref<8192x768xf32, #tpu.memory_space<hbm>>
    tpu.enqueue_indirect_dma source(%dma_start3A_194 : memref<8192x768xf32, #tpu.memory_space<hbm>>) target(%arg7 : memref<64x768xf32, #tpu.memory_space<vmem>>) offsets(%dma_start3A_191 : memref<64xi32, #tpu.memory_space<vmem>>) semaphore(%arg9 : memref<!tpu.dma_semaphore, #tpu.memory_space<semaphore_mem>>)
    %dma_wait3A_195 = arith.constant 128 : i32
    %dma_wait3A_196 = tpu.memref_slice %arg5[%dma_wait3A_195] : memref<256xi32, #tpu.memory_space<vmem>> -> memref<64xi32, #tpu.memory_space<vmem>>
    %dma_wait3A_197 = arith.constant 0 : i32
    %dma_wait3A_198 = arith.constant 0 : i32
    %dma_wait3A_199 = tpu.memref_slice %arg3[%dma_wait3A_197, %dma_wait3A_198] : memref<8192x768xf32, #tpu.memory_space<hbm>> -> memref<8192x768xf32, #tpu.memory_space<hbm>>
    tpu.wait_indirect_dma semaphore(%arg8 : memref<!tpu.dma_semaphore, #tpu.memory_space<semaphore_mem>>) src(%dma_wait3A_199 : memref<8192x768xf32, #tpu.memory_space<hbm>>) dst(%arg6 : memref<64x768xf32, #tpu.memory_space<vmem>>)
    %add3A_200 = arith.constant 128 : i32
    %add3A_201 = arith.addi %mul3A_2, %add3A_200 : i32
    "tpu.region"() ({
      %run_scoped3A = tpu.sem_alloc : memref<!tpu.dma_semaphore, #tpu.memory_space<semaphore_mem>>
      %dma_start3A_209 = arith.constant 0 : i32
      %dma_start3A_210 = tpu.memref_slice %arg4[%add3A_201, %dma_start3A_209] : memref<8192x768xf32, #tpu.memory_space<hbm>> -> memref<64x768xf32, #tpu.memory_space<hbm>>
      %dma_start3A_211 = arith.constant 0 : i32
      %dma_start3A_212 = tpu.memref_slice %arg4[%add3A_201, %dma_start3A_211] : memref<8192x768xf32, #tpu.memory_space<hbm>> -> memref<64x768xf32, #tpu.memory_space<hbm>>
      tpu.enqueue_dma source(%arg6 : memref<64x768xf32, #tpu.memory_space<vmem>>) target(%dma_start3A_212 : memref<64x768xf32, #tpu.memory_space<hbm>>) target_semaphore(%run_scoped3A : memref<!tpu.dma_semaphore, #tpu.memory_space<semaphore_mem>>)
      %dma_wait3A_213 = arith.constant 0 : i32
      %dma_wait3A_214 = tpu.memref_slice %arg4[%add3A_201, %dma_wait3A_213] : memref<8192x768xf32, #tpu.memory_space<hbm>> -> memref<64x768xf32, #tpu.memory_space<hbm>>
      %dma_wait3A_215 = arith.constant 0 : i32
      %dma_wait3A_216 = tpu.memref_slice %arg4[%add3A_201, %dma_wait3A_215] : memref<8192x768xf32, #tpu.memory_space<hbm>> -> memref<64x768xf32, #tpu.memory_space<hbm>>
      tpu.wait_dma2 semaphore(%run_scoped3A : memref<!tpu.dma_semaphore, #tpu.memory_space<semaphore_mem>>) src(%arg6 : memref<64x768xf32, #tpu.memory_space<vmem>>) dst(%dma_wait3A_216 : memref<64x768xf32, #tpu.memory_space<hbm>>)
      tpu.yield
    }) : () -> ()
    %dma_wait3A_202 = arith.constant 192 : i32
    %dma_wait3A_203 = tpu.memref_slice %arg5[%dma_wait3A_202] : memref<256xi32, #tpu.memory_space<vmem>> -> memref<64xi32, #tpu.memory_space<vmem>>
    %dma_wait3A_204 = arith.constant 0 : i32
    %dma_wait3A_205 = arith.constant 0 : i32
    %dma_wait3A_206 = tpu.memref_slice %arg3[%dma_wait3A_204, %dma_wait3A_205] : memref<8192x768xf32, #tpu.memory_space<hbm>> -> memref<8192x768xf32, #tpu.memory_space<hbm>>
    tpu.wait_indirect_dma semaphore(%arg9 : memref<!tpu.dma_semaphore, #tpu.memory_space<semaphore_mem>>) src(%dma_wait3A_206 : memref<8192x768xf32, #tpu.memory_space<hbm>>) dst(%arg7 : memref<64x768xf32, #tpu.memory_space<vmem>>)
    %add3A_207 = arith.constant 192 : i32
    %add3A_208 = arith.addi %mul3A_2, %add3A_207 : i32
    "tpu.region"() ({
      %run_scoped3A = tpu.sem_alloc : memref<!tpu.dma_semaphore, #tpu.memory_space<semaphore_mem>>
      %dma_start3A_209 = arith.constant 0 : i32
      %dma_start3A_210 = tpu.memref_slice %arg4[%add3A_208, %dma_start3A_209] : memref<8192x768xf32, #tpu.memory_space<hbm>> -> memref<64x768xf32, #tpu.memory_space<hbm>>
      %dma_start3A_211 = arith.constant 0 : i32
      %dma_start3A_212 = tpu.memref_slice %arg4[%add3A_208, %dma_start3A_211] : memref<8192x768xf32, #tpu.memory_space<hbm>> -> memref<64x768xf32, #tpu.memory_space<hbm>>
      tpu.enqueue_dma source(%arg7 : memref<64x768xf32, #tpu.memory_space<vmem>>) target(%dma_start3A_212 : memref<64x768xf32, #tpu.memory_space<hbm>>) target_semaphore(%run_scoped3A : memref<!tpu.dma_semaphore, #tpu.memory_space<semaphore_mem>>)
      %dma_wait3A_213 = arith.constant 0 : i32
      %dma_wait3A_214 = tpu.memref_slice %arg4[%add3A_208, %dma_wait3A_213] : memref<8192x768xf32, #tpu.memory_space<hbm>> -> memref<64x768xf32, #tpu.memory_space<hbm>>
      %dma_wait3A_215 = arith.constant 0 : i32
      %dma_wait3A_216 = tpu.memref_slice %arg4[%add3A_208, %dma_wait3A_215] : memref<8192x768xf32, #tpu.memory_space<hbm>> -> memref<64x768xf32, #tpu.memory_space<hbm>>
      tpu.wait_dma2 semaphore(%run_scoped3A : memref<!tpu.dma_semaphore, #tpu.memory_space<semaphore_mem>>) src(%arg7 : memref<64x768xf32, #tpu.memory_space<vmem>>) dst(%dma_wait3A_216 : memref<64x768xf32, #tpu.memory_space<hbm>>)
      tpu.yield
    }) : () -> ()
    return
  }
}

module attributes {stable_mosaic.version = 14 : i64} {
  func.func @_layer2_body(%arg0: i32, %arg1: memref<1024x768xf32, #tpu.memory_space<vmem>>, %arg2: memref<1024x768xf32, #tpu.memory_space<vmem>>, %arg3: memref<1024x1xf32, #tpu.memory_space<vmem>>, %arg4: memref<768x768xf32, #tpu.memory_space<vmem>>, %arg5: memref<768x768xf32, #tpu.memory_space<vmem>>, %arg6: memref<1x768xf32, #tpu.memory_space<vmem>>, %arg7: memref<1024x768xf32, #tpu.memory_space<vmem>>, %arg8: memref<1024x768xf32, #tpu.memory_space<vmem>>) attributes {dimension_semantics = [#tpu.dimension_semantics<arbitrary>], iteration_bounds = array<i64: 8>, scalar_prefetch = 0 : i64, scratch_operands = 0 : i64, tpu.core_type = #tpu.core_type<tc>, window_params = [{transform_indices = @transform_0, window_bounds = array<i64: 1024, 768>}, {transform_indices = @transform_1, window_bounds = array<i64: 1024, 768>}, {transform_indices = @transform_2, window_bounds = array<i64: 1024, 1>}, {pipeline_mode = #tpu.pipeline_mode<synchronous>, transform_indices = @transform_3, window_bounds = array<i64: 768, 768>}, {pipeline_mode = #tpu.pipeline_mode<synchronous>, transform_indices = @transform_4, window_bounds = array<i64: 768, 768>}, {pipeline_mode = #tpu.pipeline_mode<synchronous>, transform_indices = @transform_5, window_bounds = array<i64: 1, 768>}, {transform_indices = @transform_6, window_bounds = array<i64: 1024, 768>}, {transform_indices = @transform_7, window_bounds = array<i64: 1024, 768>}]} {
    %get3A = arith.constant 0 : index
    %get3A_0 = arith.constant 0 : index
    %get3A_1 = vector.load %arg1[%get3A, %get3A_0] : memref<1024x768xf32, #tpu.memory_space<vmem>>, vector<1024x768xf32>
    %get3A_2 = arith.constant 0 : index
    %get3A_3 = arith.constant 0 : index
    %get3A_4 = vector.load %arg2[%get3A_2, %get3A_3] : memref<1024x768xf32, #tpu.memory_space<vmem>>, vector<1024x768xf32>
    %get3A_5 = arith.constant 0 : index
    %get3A_6 = arith.constant 0 : index
    %get3A_7 = vector.load %arg4[%get3A_5, %get3A_6] : memref<768x768xf32, #tpu.memory_space<vmem>>, vector<768x768xf32>
    %dot_general3A = arith.constant dense<0.000000e+00> : vector<1024x768xf32>
    %dot_general3A_8 = tpu.matmul %get3A_1, %get3A_7, %dot_general3A {dimension_numbers = #tpu.dot_dimension_numbers<[1], [0], [0], [1], [0, 0, 1, 1], [], []>, transpose_lhs_hint = false} : vector<1024x768xf32>, vector<768x768xf32>, vector<1024x768xf32> -> vector<1024x768xf32>
    %get3A_9 = arith.constant 0 : index
    %get3A_10 = arith.constant 0 : index
    %get3A_11 = vector.load %arg5[%get3A_9, %get3A_10] : memref<768x768xf32, #tpu.memory_space<vmem>>, vector<768x768xf32>
    %dot_general3A_12 = arith.constant dense<0.000000e+00> : vector<1024x768xf32>
    %dot_general3A_13 = tpu.matmul %get3A_4, %get3A_11, %dot_general3A_12 {dimension_numbers = #tpu.dot_dimension_numbers<[1], [0], [0], [1], [0, 0, 1, 1], [], []>, transpose_lhs_hint = false} : vector<1024x768xf32>, vector<768x768xf32>, vector<1024x768xf32> -> vector<1024x768xf32>
    %add3A = arith.addf %dot_general3A_8, %dot_general3A_13 : vector<1024x768xf32>
    %get3A_14 = arith.constant 0 : index
    %get3A_15 = arith.constant 0 : index
    %get3A_16 = vector.load %arg6[%get3A_14, %get3A_15] : memref<1x768xf32, #tpu.memory_space<vmem>>, vector<1x768xf32>
    %add3A_17 = vector.broadcast %get3A_16 : vector<1x768xf32> to vector<1024x768xf32>
    %add3A_18 = arith.addf %add3A, %add3A_17 : vector<1024x768xf32>
    %max3A = arith.constant 0.000000e+00 : f32
    %max3A_19 = vector.broadcast %max3A : f32 to vector<1024x768xf32>
    %max3A_20 = arith.maximumf %add3A_18, %max3A_19 : vector<1024x768xf32>
    %get3A_21 = arith.constant 0 : index
    %get3A_22 = arith.constant 0 : index
    %get3A_23 = vector.load %arg3[%get3A_21, %get3A_22] : memref<1024x1xf32, #tpu.memory_space<vmem>>, vector<1024x1xf32>
    %mul3A = vector.broadcast %get3A_23 : vector<1024x1xf32> to vector<1024x768xf32>
    %mul3A_24 = arith.mulf %max3A_20, %mul3A : vector<1024x768xf32>
    %swap3A = arith.constant 0 : index
    %swap3A_25 = arith.constant 0 : index
    %swap3A_26 = vector.load %arg7[%swap3A, %swap3A_25] : memref<1024x768xf32, #tpu.memory_space<vmem>>, vector<1024x768xf32>
    tpu.vector_store %arg7[%swap3A, %swap3A_25], %mul3A_24 {strides = array<i32>} : memref<1024x768xf32, #tpu.memory_space<vmem>>, vector<1024x768xf32>,
    %swap3A_27 = arith.constant 0 : index
    %swap3A_28 = arith.constant 0 : index
    %swap3A_29 = vector.load %arg8[%swap3A_27, %swap3A_28] : memref<1024x768xf32, #tpu.memory_space<vmem>>, vector<1024x768xf32>
    tpu.vector_store %arg8[%swap3A_27, %swap3A_28], %mul3A_24 {strides = array<i32>} : memref<1024x768xf32, #tpu.memory_space<vmem>>, vector<1024x768xf32>,
    return
  }
  func.func @transform_0(%arg0: i32) -> (i32, i32) {
    %c0_i32 = arith.constant 0 : i32
    %c0_i32_0 = arith.constant 0 : i32
    return %arg0, %c0_i32 : i32, i32
  }
  func.func @transform_1(%arg0: i32) -> (i32, i32) {
    %c0_i32 = arith.constant 0 : i32
    %c0_i32_0 = arith.constant 0 : i32
    return %arg0, %c0_i32 : i32, i32
  }
  func.func @transform_2(%arg0: i32) -> (i32, i32) {
    %c0_i32 = arith.constant 0 : i32
    %c0_i32_0 = arith.constant 0 : i32
    return %arg0, %c0_i32 : i32, i32
  }
  func.func @transform_3(%arg0: i32) -> (i32, i32) {
    %c0_i32 = arith.constant 0 : i32
    %c0_i32_0 = arith.constant 0 : i32
    %c0_i32_1 = arith.constant 0 : i32
    return %c0_i32, %c0_i32_0 : i32, i32
  }
  func.func @transform_4(%arg0: i32) -> (i32, i32) {
    %c0_i32 = arith.constant 0 : i32
    %c0_i32_0 = arith.constant 0 : i32
    %c0_i32_1 = arith.constant 0 : i32
    return %c0_i32, %c0_i32_0 : i32, i32
  }
  func.func @transform_5(%arg0: i32) -> (i32, i32) {
    %c0_i32 = arith.constant 0 : i32
    %c0_i32_0 = arith.constant 0 : i32
    %c0_i32_1 = arith.constant 0 : i32
    return %c0_i32, %c0_i32_0 : i32, i32
  }
  func.func @transform_6(%arg0: i32) -> (i32, i32) {
    %c0_i32 = arith.constant 0 : i32
    %c0_i32_0 = arith.constant 0 : i32
    return %arg0, %c0_i32 : i32, i32
  }
  func.func @transform_7(%arg0: i32) -> (i32, i32) {
    %c0_i32 = arith.constant 0 : i32
    %c0_i32_0 = arith.constant 0 : i32
    return %arg0, %c0_i32 : i32, i32
  }
}

module attributes {stable_mosaic.version = 14 : i64} {
  func.func @_layer_body(%arg0: i32, %arg1: memref<1024x768xf32, #tpu.memory_space<vmem>>, %arg2: memref<1024x768xf32, #tpu.memory_space<vmem>>, %arg3: memref<1024x1xf32, #tpu.memory_space<vmem>>, %arg4: memref<768x768xf32, #tpu.memory_space<vmem>>, %arg5: memref<768x768xf32, #tpu.memory_space<vmem>>, %arg6: memref<1x768xf32, #tpu.memory_space<vmem>>, %arg7: memref<1024x768xf32, #tpu.memory_space<vmem>>) attributes {dimension_semantics = [#tpu.dimension_semantics<arbitrary>], iteration_bounds = array<i64: 8>, scalar_prefetch = 0 : i64, scratch_operands = 0 : i64, tpu.core_type = #tpu.core_type<tc>, window_params = [{transform_indices = @transform_0, window_bounds = array<i64: 1024, 768>}, {transform_indices = @transform_1, window_bounds = array<i64: 1024, 768>}, {transform_indices = @transform_2, window_bounds = array<i64: 1024, 1>}, {pipeline_mode = #tpu.pipeline_mode<synchronous>, transform_indices = @transform_3, window_bounds = array<i64: 768, 768>}, {pipeline_mode = #tpu.pipeline_mode<synchronous>, transform_indices = @transform_4, window_bounds = array<i64: 768, 768>}, {pipeline_mode = #tpu.pipeline_mode<synchronous>, transform_indices = @transform_5, window_bounds = array<i64: 1, 768>}, {transform_indices = @transform_6, window_bounds = array<i64: 1024, 768>}]} {
    %get3A = arith.constant 0 : index
    %get3A_0 = arith.constant 0 : index
    %get3A_1 = vector.load %arg1[%get3A, %get3A_0] : memref<1024x768xf32, #tpu.memory_space<vmem>>, vector<1024x768xf32>
    %get3A_2 = arith.constant 0 : index
    %get3A_3 = arith.constant 0 : index
    %get3A_4 = vector.load %arg2[%get3A_2, %get3A_3] : memref<1024x768xf32, #tpu.memory_space<vmem>>, vector<1024x768xf32>
    %get3A_5 = arith.constant 0 : index
    %get3A_6 = arith.constant 0 : index
    %get3A_7 = vector.load %arg4[%get3A_5, %get3A_6] : memref<768x768xf32, #tpu.memory_space<vmem>>, vector<768x768xf32>
    %dot_general3A = arith.constant dense<0.000000e+00> : vector<1024x768xf32>
    %dot_general3A_8 = tpu.matmul %get3A_1, %get3A_7, %dot_general3A {dimension_numbers = #tpu.dot_dimension_numbers<[1], [0], [0], [1], [0, 0, 1, 1], [], []>, transpose_lhs_hint = false} : vector<1024x768xf32>, vector<768x768xf32>, vector<1024x768xf32> -> vector<1024x768xf32>
    %get3A_9 = arith.constant 0 : index
    %get3A_10 = arith.constant 0 : index
    %get3A_11 = vector.load %arg5[%get3A_9, %get3A_10] : memref<768x768xf32, #tpu.memory_space<vmem>>, vector<768x768xf32>
    %dot_general3A_12 = arith.constant dense<0.000000e+00> : vector<1024x768xf32>
    %dot_general3A_13 = tpu.matmul %get3A_4, %get3A_11, %dot_general3A_12 {dimension_numbers = #tpu.dot_dimension_numbers<[1], [0], [0], [1], [0, 0, 1, 1], [], []>, transpose_lhs_hint = false} : vector<1024x768xf32>, vector<768x768xf32>, vector<1024x768xf32> -> vector<1024x768xf32>
    %add3A = arith.addf %dot_general3A_8, %dot_general3A_13 : vector<1024x768xf32>
    %get3A_14 = arith.constant 0 : index
    %get3A_15 = arith.constant 0 : index
    %get3A_16 = vector.load %arg6[%get3A_14, %get3A_15] : memref<1x768xf32, #tpu.memory_space<vmem>>, vector<1x768xf32>
    %add3A_17 = vector.broadcast %get3A_16 : vector<1x768xf32> to vector<1024x768xf32>
    %add3A_18 = arith.addf %add3A, %add3A_17 : vector<1024x768xf32>
    %max3A = arith.constant 0.000000e+00 : f32
    %max3A_19 = vector.broadcast %max3A : f32 to vector<1024x768xf32>
    %max3A_20 = arith.maximumf %add3A_18, %max3A_19 : vector<1024x768xf32>
    %get3A_21 = arith.constant 0 : index
    %get3A_22 = arith.constant 0 : index
    %get3A_23 = vector.load %arg3[%get3A_21, %get3A_22] : memref<1024x1xf32, #tpu.memory_space<vmem>>, vector<1024x1xf32>
    %mul3A = vector.broadcast %get3A_23 : vector<1024x1xf32> to vector<1024x768xf32>
    %mul3A_24 = arith.mulf %max3A_20, %mul3A : vector<1024x768xf32>
    %swap3A = arith.constant 0 : index
    %swap3A_25 = arith.constant 0 : index
    %swap3A_26 = vector.load %arg7[%swap3A, %swap3A_25] : memref<1024x768xf32, #tpu.memory_space<vmem>>, vector<1024x768xf32>
    tpu.vector_store %arg7[%swap3A, %swap3A_25], %mul3A_24 {strides = array<i32>} : memref<1024x768xf32, #tpu.memory_space<vmem>>, vector<1024x768xf32>,
    return
  }
  func.func @transform_0(%arg0: i32) -> (i32, i32) {
    %c0_i32 = arith.constant 0 : i32
    %c0_i32_0 = arith.constant 0 : i32
    return %arg0, %c0_i32 : i32, i32
  }
  func.func @transform_1(%arg0: i32) -> (i32, i32) {
    %c0_i32 = arith.constant 0 : i32
    %c0_i32_0 = arith.constant 0 : i32
    return %arg0, %c0_i32 : i32, i32
  }
  func.func @transform_2(%arg0: i32) -> (i32, i32) {
    %c0_i32 = arith.constant 0 : i32
    %c0_i32_0 = arith.constant 0 : i32
    return %arg0, %c0_i32 : i32, i32
  }
  func.func @transform_3(%arg0: i32) -> (i32, i32) {
    %c0_i32 = arith.constant 0 : i32
    %c0_i32_0 = arith.constant 0 : i32
    %c0_i32_1 = arith.constant 0 : i32
    return %c0_i32, %c0_i32_0 : i32, i32
  }
  func.func @transform_4(%arg0: i32) -> (i32, i32) {
    %c0_i32 = arith.constant 0 : i32
    %c0_i32_0 = arith.constant 0 : i32
    %c0_i32_1 = arith.constant 0 : i32
    return %c0_i32, %c0_i32_0 : i32, i32
  }
  func.func @transform_5(%arg0: i32) -> (i32, i32) {
    %c0_i32 = arith.constant 0 : i32
    %c0_i32_0 = arith.constant 0 : i32
    %c0_i32_1 = arith.constant 0 : i32
    return %c0_i32, %c0_i32_0 : i32, i32
  }
  func.func @transform_6(%arg0: i32) -> (i32, i32) {
    %c0_i32 = arith.constant 0 : i32
    %c0_i32_0 = arith.constant 0 : i32
    return %arg0, %c0_i32 : i32, i32
  }
}

</mosaic_0001>

<sc_bundles>
// kernel: kernel.6.cloned.1.call-start
scs
__scs_entry_jumppad:
0x0: {  	(pc) =	sbr.rel $0x88, $3  }
0x1: {  	(tag) =	ssettag $0x0;
	lr =	simm.s32 $0x1  }
0x2: {  	[smem:$0x3F9B] =	sst lr;
	_ =	strace $0xD0000000  }
0x3: {  	_ = 	snop  }
0x4: {  	_ = 	snop  }
0x5: {  	_ = 	snop  }
0x6: {  	_ = 	snop  }
0x7: {  	_ = 	snop  }
__scs_overlays_trampoline_lowered:
0x8: {  	[smem:$0x3FAA] =	sst s0  }
0x9: {  	[smem:$0x3FAB] =	sst s1  }
0xa: {  	[smem:$0x3FAC] =	sst s2  }
0xb: {  	[smem:$0x3FAD] =	sst s3  }
0xc: {  	[smem:$0x3FAE] =	sst s4  }
0xd: {  	[smem:$0x3FAF] =	sst s5  }
0xe: {  	[smem:$0x3FB0] =	sst s6  }
0xf: {  	[smem:$0x3FB1] =	sst s7  }
0x10: {  	[smem:$0x3FB2] =	sst s8  }
0x11: {  	[smem:$0x3FB3] =	sst s9;
	s0 =	simm.s32 @!p0 $0x0  }
0x12: {  	s1 =	sld [smem:$0x3F99];
	s0 =	simm.s32 @p0 $0x1  }
0x13: {  	[smem:$0x3FB4] =	sst s0;
	s0 =	simm.s32 @!p1 $0x0  }
0x14: {  	s2 =	sld [smem:$0x3F98];
	s0 =	simm.s32 @p1 $0x1  }
0x15: {  	[smem:$0x3FB5] =	sst s0;
	s0 =	simm.s32 @!p2 $0x0  }
0x16: {  	s3 =	sld [smem:$0x3FDB];
	s0 =	simm.s32 @p2 $0x1  }
0x17: {  	s4 =	simm.s32 $0x1BF5;
	[smem:$0x3FB7] =	sst s0  }
0x18: {  	s0 =	sld [smem:$0x3F9A];
	_ =	swait.ge [sflag:s4], $0x0  }
0x19: {  	s7 =	sld [smem:$0x3F9B]  }
0x1a: {  	s8 =	sadd.s32 $0xFFFFE003, lr  }
0x1b: {  	s9 =	sadd.s32 $0xFFFFFEF7, lr;
	s5 =	simm.s32 $0xFFFFFFFF;
	p2 =	slt.u32 s8, $0xFFFFF086  }
0x1c: {  	p1 =	slt.u32 s9, $0xF7A;
	s5 =	simm.s32 @!p2 $0x0  }
0x1d: {  	s5 =	simm.s32 @p1 $0x1;
	p0 =	seq.s32 s7, s2  }
0x1e: {  	s7 =	smul.u32 @!p0 $0xF7A, s2;
	p2 =	seq.s32 @!p0 s5, $0x0  }
0x1f: {  	s9 =	smul.u32 $0xF7A, s1;
	s8 =	simm.s32 @!p0 $0x1BF5;
	p2 =	por !p2, p0  }
0x20: {  	[sflag:s8] =	ssyncset.s32 @!p0 $0xFFFFF086;
	s6 =	sadd.s32 @!p0 s3, s7;
	s7 =	simm.s32 @!p0 $0x108  }
0x21: {  	s3 =	sadd.s32 s3, s9;
	s6 =	sadd.s32 @!p0 $0x88, s6;
	s7 =	simm.s32 @p2 $0x1082  }
0x22: {  	[simem:s7], [sflag:s8] =	dma.local @!p0 [hbm:s6], $0xF7A  }
0x23: {  	s9 =	sor.u32 $0xD0000000, s2;
	s6 =	simm.s32 $0x108;
	_ =	swait.ge @!p0 [sflag:s8], $0x0  }
0x24: {  	s3 =	sadd.s32 $0x88, s3;
	s6 =	simm.s32 @!p1 $0x1082;
	[sflag:s4] =	ssyncset.s32 $0xFFFFF086  }
0x25: {  	[simem:s6], [sflag:s4] =	dma.local [hbm:s3], $0xF7A  }
0x26: {  	[smem:$0x3F9B] =	sst s1;
	(tag) =	ssettag s2;
	_ =	strace s9  }
0x27: {  	s1 =	sld [smem:$0x3FAB]  }
0x28: {  	s2 =	sld [smem:$0x3FAC]  }
0x29: {  	s4 =	sld [smem:$0x3FAE]  }
0x2a: {  	p0 =	seq.s32 s5, $0x0;
	s5 =	sld [smem:$0x3FAF]  }
0x2b: {  	s6 =	sld [smem:$0x3FB0]  }
0x2c: {  	s7 =	sld [smem:$0x3FB1]  }
0x2d: {  	s3 =	simm.s32 $0x108;
	s8 =	sld [smem:$0x3FB2]  }
0x2e: {  	s3 =	simm.s32 @!p0 $0x1082;
	s9 =	sld [smem:$0x3FB3]  }
0x2f: {  	lr =	sadd.s32 s0, s3;
	s0 =	sld [smem:$0x3FAA]  }
0x30: {  	s3 =	sld [smem:$0x3FAD]  }
0x31: {  	[smem:$0x3FB6] =	sst s10  }
0x32: {  	s10 =	sld [smem:$0x3FB4];
	_ =	sdelay $0x3  }
0x33: {  	p0 =	seq.s32 s10, $0x1;
	s10 =	sld [smem:$0x3FB6];
	_ =	sdelay $0x3  }
0x34: {  	[smem:$0x3FB6] =	sst s10  }
0x35: {  	s10 =	sld [smem:$0x3FB5];
	_ =	sdelay $0x3  }
0x36: {  	p1 =	seq.s32 s10, $0x1;
	s10 =	sld [smem:$0x3FB6];
	_ =	sdelay $0x3  }
0x37: {  	[smem:$0x3FB6] =	sst s10  }
0x38: {  	s10 =	sld [smem:$0x3FB7]  }
0x39: {  	_ = 	snop;
	(pc) =	sbr.ind lr, $3  }
0x3a: {  	_ = 	snop  }
0x3b: {  	_ = 	snop  }
0x3c: {  	p2 =	seq.s32 s10, $0x1;
	s10 =	sld [smem:$0x3FB6]  }
0x3d: {  	_ =	shalt  }
0x3e: {  	_ =	shalt  }
0x3f: {  	_ =	shalt  }
0x40: {  	_ =	shalt  }
0x41: {  	_ =	shalt  }
0x42: {  	_ =	shalt  }
0x43: {  	_ =	shalt  }
0x44: {  	_ =	shalt  }
0x45: {  	_ =	shalt  }
0x46: {  	_ =	shalt  }
0x47: {  	_ =	shalt  }
0x48: {  	_ =	shalt  }
0x49: {  	_ =	shalt  }
0x4a: {  	_ =	shalt  }
0x4b: {  	_ =	shalt  }
0x4c: {  	_ =	shalt  }
0x4d: {  	_ =	shalt  }
0x4e: {  	_ =	shalt  }
0x4f: {  	_ =	shalt  }
0x50: {  	_ =	shalt  }
0x51: {  	_ =	shalt  }
0x52: {  	_ =	shalt  }
0x53: {  	_ =	shalt  }
0x54: {  	_ =	shalt  }
0x55: {  	_ =	shalt  }
0x56: {  	_ =	shalt  }
0x57: {  	_ =	shalt  }
0x58: {  	_ =	shalt  }
0x59: {  	_ =	shalt  }
0x5a: {  	_ =	shalt  }
0x5b: {  	_ =	shalt  }
0x5c: {  	_ =	shalt  }
0x5d: {  	_ =	shalt  }
0x5e: {  	_ =	shalt  }
0x5f: {  	_ =	shalt  }
0x60: {  	_ =	shalt  }
0x61: {  	_ =	shalt  }
0x62: {  	_ =	shalt  }
0x63: {  	_ =	shalt  }
0x64: {  	_ =	shalt  }
0x65: {  	_ =	shalt  }
0x66: {  	_ =	shalt  }
0x67: {  	_ =	shalt  }
0x68: {  	_ =	shalt  }
0x69: {  	_ =	shalt  }
0x6a: {  	_ =	shalt  }
0x6b: {  	_ =	shalt  }
0x6c: {  	_ =	shalt  }
0x6d: {  	_ =	shalt  }
0x6e: {  	_ =	shalt  }
0x6f: {  	_ =	shalt  }
0x70: {  	_ =	shalt  }
0x71: {  	_ =	shalt  }
0x72: {  	_ =	shalt  }
0x73: {  	_ =	shalt  }
0x74: {  	_ =	shalt  }
0x75: {  	_ =	shalt  }
0x76: {  	_ =	shalt  }
0x77: {  	_ =	shalt  }
0x78: {  	_ =	shalt  }
0x79: {  	_ =	shalt  }
0x7a: {  	_ =	shalt  }
0x7b: {  	_ =	shalt  }
0x7c: {  	_ =	shalt  }
0x7d: {  	_ =	shalt  }
0x7e: {  	_ =	shalt  }
0x7f: {  	_ =	shalt  }
0x80: {  	_ =	shalt  }
0x81: {  	_ =	shalt  }
0x82: {  	_ =	shalt  }
0x83: {  	_ =	shalt  }
0x84: {  	_ =	shalt  }
0x85: {  	_ =	shalt  }
0x86: {  	_ =	shalt  }
0x87: {  	_ =	shalt  }
.Lfunc_end0:
.L_simem_size_0:
called_computation_lowered:
.L_overlay_start_0:
0x88: {  	s2 =	sld [smem:$0x3FD9]  }
0x89: {  	s3 =	sld [smem:$0x3FFE];
	_ =	sdelay $0x1  }
0x8a: {  	s1 =	srdreg.scid  }
0x8b: {  	s0 =	sand.u32 $0x1, s1  }
0x8c: {  	s17 =	sshll.u32 s0, $0xA;
	s2 =	sadd.s32 s3, s2  }
0x8d: {  	s2 =	sadd.s32 s2, s17  }
0x8e: {  	[smem:$0x3FC2] =	sst s2  }
0x8f: {  	_ = 	snop  }
0x90: {  	s2 =	sld [smem:$0x3FC9];
	(tm) =	ssettm $0x1  }
0x91: {  	s18 =	sld [smem:$0x3FFB];
	_ =	sdelay $0x3  }
0x92: {  	_ =	strace s18  }
0x93: {  	s3 =	sld [smem:$0x3FFC];
	_ =	sdelay $0x3  }
0x94: {  	_ =	strace s3  }
0x95: {  	s3 =	sld [smem:$0x3FFD];
	_ =	sdelay $0x3  }
0x96: {  	_ =	strace s3  }
0x97: {  	_ =	strace $0x8FFFFFFF  }
0x98: {  	s19 =	sld [smem:$0x3FDB];
	_ =	sdelay $0x1  }
0x99: {  	s4 =	simm.s32 $_scs_section_size  }
0x9a: {  	s5 =	simm.s32 $_size__tile_overlayer_lowered;
	s6 =	simm.s32 $_tile_overlayer_lowered  }
0x9b: {  	s22 =	simm.s32 $0x1BFF;
	s21 =	sshll.u32 s6, $0x1;
	s3 =	sadd.s32 s4, s19  }
0x9c: {  	s7 =	simm.s32 $0x0;
	s20 =	sshll.u32 s5, $0x1;
	s5 =	sadd.s32 s21, s3  }
0x9d: {  	[timem:s7], [sflag:s22] =	dma.local [hbm:s5], s20  }
0x9e: {  	_ =	swait.ge [sflag:s22], s20  }
0x9f: {  	s4 =	ssub.s32 $0x0, s20;
	[sflag:s22] =	ssyncset.done $0x0  }
0xa0: {  	[sflag:s22] =	ssyncadd.s32 s4;
	_ =	sdelay $0x1  }
0xa1: {  	s23 =	simm.s32 $0x1B8B  }
0xa2: {  	_ =	swait.ge [sflag:s23], $0x1  }
0xa3: {  	[sflag:s23] =	ssyncset.done $0x0  }
0xa4: {  	s25 =	simm.s32 $0x1B8E;
	s24 =	sld [smem:$0x3FFE];
	[sflag:s23] =	ssyncadd.s32 $0xFFFFFFFF  }
0xa5: {  	s26 =	simm.s32 $execute0_lowered;
	[smem:$0x3FD2] =	sst s25  }
0xa6: {  	s5 =	sshll.u32 s26, $0x1;
	_ =	strace $0x80000046;
	[dreg:$0x1] =	wrdreg $0xFFFFFFFF  }
0xa7: {  	s28 =	simm.s32 $_size_execute0_lowered;
	s3 =	sadd.s32 s3, s5;
	[dreg:$0x0] =	wrdreg $0x0  }
0xa8: {  	s5 =	sshll.u32 s28, $0x1;
	[dreg:$0x2] =	wrdreg s3  }
0xa9: {  	[dreg:$0x3] =	wrdreg s5  }
0xaa: {  	[dreg:$0x4] =	wrdreg $0xC0  }
0xab: {  	_ =	task [dreg:s7], $0x5FFFF  }
0xac: {  	[dreg:$0x1] =	wrdreg $0xFFFFFFFF  }
0xad: {  	[dreg:$0x0] =	wrdreg $0x60  }
0xae: {  	[dreg:$0x2] =	wrdreg s24  }
0xaf: {  	[dreg:$0x3] =	wrdreg s2  }
0xb0: {  	[dreg:$0x4] =	wrdreg $0x9  }
0xb1: {  	_ =	task.clear_ibuf [dreg:s7], $0x5FFFF;
	_ =	strace $0x90000046  }
0xb2: {  	s29 =	simm.s32 $0x9;
	_ =	strace $0x80000048  }
0xb3: {  	_ =	swait.ge [sflag:s29], $0x1  }
0xb4: {  	[sflag:s29] =	ssyncadd.s32 $0xFFFFFFFF  }
0xb5: {  	_ =	strace $0x90000048  }
0xb6: {  	_ =	sfence  }
0xb7: {  	s30 =	sld [smem:$0x0];
	_ =	sdelay $0x2  }
0xb8: {  	s31 =	sshll.u32 s1, $0xD;
	s1 =	sshrl.u32 s1, $0x2  }
0xb9: {  	s3 =	sand.u32 $0x4000, s31;
	s1 =	sadd.s32 s1, s30  }
0xba: {  	s0 =	sor.u32 s3, s0;
	s1 =	sshll.u32 s1, $0x11  }
0xbb: {  	s0 =	sor.u32 s1, s0  }
0xbc: {  	s0 =	sadd.s32 $0x8F2B, s0  }
0xbd: {  	[sflag:s0] =	ssyncadd.remote.s32 $0x1  }
0xbe: {  	_ =	sfence.sel $0xFFFF  }
0xbf: {  	[dreg:$0x0] =	wrdreg $0xFFFFFFFF;
	(pc) =	sbr.abs _section_cstart, $3  }
0xc0: {  	[dreg:$0x1] =	wrdreg $0xFFFFFFFF  }
0xc1: {  	_ =	task.clear_ibuf [dreg:s7], $0x2FFFF;
	_ =	strace $0x9FFFFFFF  }
0xc2: {  	(tm) =	ssettm $0x7FFFFFFF  }
0xc3: {  	_ =	shalt  }
tec
execute0_lowered:
.L_overlay_start_1:
0x0: {  	(tag) =	ssettag $0x1  }
0x1: {  	s0 =	srdreg.scid  }
0x2: {  	s2 =	stileid.u32;
	s1 =	rddreg [dreg:$0x0]  }
0x3: {  	s13 =	simm.s32 $0x900;
	s14 =	simm.s32 $0x1100;
	s15 =	simm.s32 $0x1900  }
0x4: {  	s16 =	simm.s32 $0x2100;
	s17 =	simm.s32 $0x2900;
	s18 =	simm.s32 $0x3100  }
0x5: {  	s19 =	simm.s32 $0x3900;
	s20 =	simm.s32 $0x4100;
	s21 =	simm.s32 $0x4900  }
0x6: {  	s22 =	simm.s32 $0x5100;
	s28 =	simm.s32 $0x7900;
	s29 =	simm.s32 $0x8100  }
0x7: {  	s30 =	simm.s32 $0x8900;
	s31 =	simm.s32 $0x9100;
	s12 =	simm.s32 $0xB900  }
0x8: {  	s0 =	sand.u32 $0x1, s0;
	s4 =	sshll.u32 s2, $0x9;
	s2 =	rddreg [dreg:$0x1]  }
0x9: {  	s3 =	sshll.u32 s0, $0x8;
	s0 =	ssub.s32 $0x2, s0;
	s11 =	sand.u32 $0x1800, s4  }
0xa: {  	s5 =	sor.u32 s3, s4;
	s3 =	simm.s32 $0x0;
	s7 =	sshrl.u32 s0, $0x1  }
0xb: {  	v0 =	vmov s11;
	s11 =	simm.s32 $0xB100;
	s5 =	sshrl.u32 s5, $0x3;
	[smem:$0x7FF] =	sst s3  }
0xc: {  	s0 =	ssub.s32 s0, s7;
	s6 =	smul.u32 $0x300, s5;
	_ =	strace $0x80000047  }
0xd: {  	s8 =	smul.u32 $0x1800, s5;
	s5 =	sadd.s32 s5, s1;
	s1 =	sadd.s32 $0x2600, s1  }
0xe: {  	s10 =	smax.u32 s0, $0x1;
	s5 =	sadd.s32 $0x2200, s5;
	s23 =	sadd.s32 s1, s6  }
0xf: {  	s24 =	sshrl.u32 s8, $0x3;
	[dreg:$0x3] =	wrdreg s5;
	s5 =	sadd.s32 $0x100, s2  }
0x10: {  	s6 =	sadd.s32 $0x200, s2;
	s8 =	simm.s32 $0x3;
	[dreg:$0x7] =	wrdreg s23  }
0x11: {  	s25 =	sadd.s32 $0x1800, s23;
	s1 =	sadd.s32 s1, s24;
	s23 =	simm.s32 $0x5900  }
0x12: {  	v3 =	vlaneseq.u32;
	s24 =	simm.s32 $0x6100;
	[dreg:$0x4] =	wrdreg s25;
	s26 =	sadd.s32 $0x3000, s1  }
0x13: {  	vm0 =	vmmov $0xffff;
	v2 =	vshrl.u32 v3, $0x3;
	s1 =	sadd.s32 $0x4800, s1;
	s25 =	simm.s32 $0x6900;
	[dreg:$0x5] =	wrdreg s26  }
0x14: {  	v1 =	vand.u32 $0x7, v3;
	v3 =	vor.u32 $0x8, v3;
	v2 =	vmul.u32 $0x8, v2;
	[dreg:$0x6] =	wrdreg s1;
	s26 =	simm.s32 $0x7100;
	s1 =	simm.s32 $0xC100  }
.LBB2_1:
0x15: {  	s4 =	rddreg [dreg:$0x3]  }
0x16: {  	[tilespmem:s3], [sflag:$0x3] =	stream.linear.gather [hbm4b:s4+s3], $0x100, $0x38;
	[tilespmem:$0x18100] =	vst v63  }
0x17: {  	_ =	swait.ge [sflag:s8], $0x100  }
0x18: {  	[sflag:s8] =	ssyncset.done $0x0  }
0x19: {  	[sflag:s8] =	ssyncadd.s32 $0xFFFFFF00  }
0x1a: {  	v4 =	vld [tilespmem:$0x0]  }
0x1b: {  	v5 =	vld [tilespmem:$0x10]  }
0x1c: {  	v6 =	vld [tilespmem:$0x20]  }
0x1d: {  	v7 =	vld [tilespmem:$0x30]  }
0x1e: {  	v8 =	vld [tilespmem:$0x40]  }
0x1f: {  	v10 =	vld [tilespmem:$0x50];
	v9 =	vadd.s32 v0, v4  }
0x20: {  	v11 =	vld [tilespmem:$0x60];
	v5 =	vadd.s32 v0, v5;
	[tilespmem:$0x0] =	vst v9  }
0x21: {  	v53 =	vld [tilespmem:$0x70];
	[tilespmem:$0x10] =	vst v5;
	v5 =	vadd.s32 v0, v6  }
0x22: {  	v54 =	vld [tilespmem:$0x80];
	[tilespmem:$0x20] =	vst v5;
	v5 =	vadd.s32 v0, v7  }
0x23: {  	v55 =	vld [tilespmem:$0x90];
	[tilespmem:$0x30] =	vst v5;
	v5 =	vadd.s32 v0, v8  }
0x24: {  	v56 =	vld [tilespmem:$0xA0];
	[tilespmem:$0x40] =	vst v5;
	v5 =	vadd.s32 v0, v10  }
0x25: {  	v57 =	vld [tilespmem:$0xB0];
	v9 =	vshrl.u32 v9, $0x3;
	[tilespmem:$0x50] =	vst v5;
	v5 =	vadd.s32 v0, v11  }
0x26: {  	v58 =	vld [tilespmem:$0xC0];
	v9 =	vmul.u32 $0x30, v9;
	[tilespmem:$0x60] =	vst v5;
	v5 =	vadd.s32 v0, v53  }
0x27: {  	v59 =	vld [tilespmem:$0xD0];
	v4 =	vand.u32 $0x7, v4;
	[tilespmem:$0x70] =	vst v5;
	v5 =	vadd.s32 v0, v54  }
0x28: {  	v60 =	vld [tilespmem:$0xE0];
	v4 =	vor.u32 v4, v9;
	[tilespmem:$0x80] =	vst v5;
	v5 =	vadd.s32 v0, v55  }
0x29: {  	v61 =	vld [tilespmem:$0xF0];
	v62 =	vperm.xlane v4, v1;
	[tilespmem:$0x90] =	vst v5;
	v5 =	vadd.s32 v0, v56  }
0x2a: {  	[tilespmem:$0xA0] =	vst v5;
	v5 =	vadd.s32 v0, v57  }
0x2b: {  	v63 =	vadd.s32 v2, v62;
	[tilespmem:$0xB0] =	vst v5;
	v5 =	vadd.s32 v0, v58  }
0x2c: {  	[tilespmem:$0xC0] =	vst v5;
	v5 =	vadd.s32 v0, v59  }
0x2d: {  	[tilespmem:$0xD0] =	vst v5;
	v5 =	vadd.s32 v0, v60  }
0x2e: {  	[tilespmem:$0xE0] =	vst v5;
	v5 =	vadd.s32 v0, v61  }
0x2f: {  	s0 =	simm.s32 $0x100;
	v4 =	vperm.xlane v4, v3;
	[tilespmem:$0xF0] =	vst v5  }
0x30: {  	[tilespmem:s0], [sflag:$0x1] =	stream.indirect_vreg.gather [hbm4b:s2+s3], $0x80, v63, vm0, $0xb8;
	[tilespmem:$0x18100] =	vst v63  }
0x31: {  	v4 =	vadd.s32 v2, v4  }
0x32: {  	[tilespmem:s13], [sflag:$0x1] =	stream.indirect_vreg.gather [hbm4b:s5+s3], $0x80, v63, vm0, $0xb8;
	[tilespmem:$0x18100] =	vst v63  }
0x33: {  	_ = 	snop  }
0x34: {  	[tilespmem:s14], [sflag:$0x1] =	stream.indirect_vreg.gather [hbm4b:s6+s3], $0x80, v63, vm0, $0xb8;
	[tilespmem:$0x18100] =	vst v63  }
0x35: {  	_ = 	snop  }
0x36: {  	[tilespmem:s15], [sflag:$0x1] =	stream.indirect_vreg.gather [hbm4b:s2+s3], $0x80, v4, vm0, $0xb8;
	[tilespmem:$0x18100] =	vst v63  }
0x37: {  	_ = 	snop  }
0x38: {  	[tilespmem:s16], [sflag:$0x1] =	stream.indirect_vreg.gather [hbm4b:s5+s3], $0x80, v4, vm0, $0xb8;
	[tilespmem:$0x18100] =	vst v63  }
0x39: {  	_ = 	snop  }
0x3a: {  	[tilespmem:s17], [sflag:$0x1] =	stream.indirect_vreg.gather [hbm4b:s6+s3], $0x80, v4, vm0, $0xb8;
	[tilespmem:$0x18100] =	vst v63  }
0x3b: {  	v4 =	vld [tilespmem:$0x10];
	_ =	sdelay $0x4  }
0x3c: {  	v5 =	vshrl.u32 v4, $0x3  }
0x3d: {  	v5 =	vmul.u32 $0x30, v5  }
0x3e: {  	v4 =	vand.u32 $0x7, v4  }
0x3f: {  	v4 =	vor.u32 v4, v5  }
0x40: {  	v5 =	vperm.xlane v4, v1;
	_ =	sdelay $0x1  }
0x41: {  	v5 =	vadd.s32 v2, v5;
	_ =	sdelay $0x3  }
0x42: {  	v4 =	vperm.xlane v4, v3  }
0x43: {  	[tilespmem:s18], [sflag:$0x1] =	stream.indirect_vreg.gather [hbm4b:s2+s3], $0x80, v5, vm0, $0xb8;
	[tilespmem:$0x18100] =	vst v63  }
0x44: {  	v4 =	vadd.s32 v2, v4  }
0x45: {  	[tilespmem:s19], [sflag:$0x1] =	stream.indirect_vreg.gather [hbm4b:s5+s3], $0x80, v5, vm0, $0xb8;
	[tilespmem:$0x18100] =	vst v63  }
0x46: {  	_ = 	snop  }
0x47: {  	[tilespmem:s20], [sflag:$0x1] =	stream.indirect_vreg.gather [hbm4b:s6+s3], $0x80, v5, vm0, $0xb8;
	[tilespmem:$0x18100] =	vst v63  }
0x48: {  	_ = 	snop  }
0x49: {  	[tilespmem:s21], [sflag:$0x1] =	stream.indirect_vreg.gather [hbm4b:s2+s3], $0x80, v4, vm0, $0xb8;
	[tilespmem:$0x18100] =	vst v63  }
0x4a: {  	_ = 	snop  }
0x4b: {  	[tilespmem:s22], [sflag:$0x1] =	stream.indirect_vreg.gather [hbm4b:s5+s3], $0x80, v4, vm0, $0xb8;
	[tilespmem:$0x18100] =	vst v63  }
0x4c: {  	_ = 	snop  }
0x4d: {  	[tilespmem:s23], [sflag:$0x1] =	stream.indirect_vreg.gather [hbm4b:s6+s3], $0x80, v4, vm0, $0xb8;
	[tilespmem:$0x18100] =	vst v63  }
0x4e: {  	v4 =	vld [tilespmem:$0x20];
	_ =	sdelay $0x4  }
0x4f: {  	v5 =	vshrl.u32 v4, $0x3  }
0x50: {  	v5 =	vmul.u32 $0x30, v5  }
0x51: {  	v4 =	vand.u32 $0x7, v4  }
0x52: {  	v4 =	vor.u32 v4, v5  }
0x53: {  	v5 =	vperm.xlane v4, v1;
	_ =	sdelay $0x1  }
0x54: {  	v5 =	vadd.s32 v2, v5;
	_ =	sdelay $0x3  }
0x55: {  	v4 =	vperm.xlane v4, v3  }
0x56: {  	[tilespmem:s24], [sflag:$0x1] =	stream.indirect_vreg.gather [hbm4b:s2+s3], $0x80, v5, vm0, $0xb8;
	[tilespmem:$0x18100] =	vst v63  }
0x57: {  	v4 =	vadd.s32 v2, v4  }
0x58: {  	[tilespmem:s25], [sflag:$0x1] =	stream.indirect_vreg.gather [hbm4b:s5+s3], $0x80, v5, vm0, $0xb8;
	[tilespmem:$0x18100] =	vst v63  }
0x59: {  	_ = 	snop  }
0x5a: {  	[tilespmem:s26], [sflag:$0x1] =	stream.indirect_vreg.gather [hbm4b:s6+s3], $0x80, v5, vm0, $0xb8;
	[tilespmem:$0x18100] =	vst v63  }
0x5b: {  	_ = 	snop  }
0x5c: {  	[tilespmem:s28], [sflag:$0x1] =	stream.indirect_vreg.gather [hbm4b:s2+s3], $0x80, v4, vm0, $0xb8;
	[tilespmem:$0x18100] =	vst v63  }
0x5d: {  	_ = 	snop  }
0x5e: {  	[tilespmem:s29], [sflag:$0x1] =	stream.indirect_vreg.gather [hbm4b:s5+s3], $0x80, v4, vm0, $0xb8;
	[tilespmem:$0x18100] =	vst v63  }
0x5f: {  	_ = 	snop  }
0x60: {  	[tilespmem:s30], [sflag:$0x1] =	stream.indirect_vreg.gather [hbm4b:s6+s3], $0x80, v4, vm0, $0xb8;
	[tilespmem:$0x18100] =	vst v63  }
0x61: {  	v4 =	vld [tilespmem:$0x30];
	_ =	sdelay $0x4  }
0x62: {  	v5 =	vshrl.u32 v4, $0x3  }
0x63: {  	v5 =	vmul.u32 $0x30, v5  }
0x64: {  	v4 =	vand.u32 $0x7, v4  }
0x65: {  	v4 =	vor.u32 v4, v5  }
0x66: {  	v5 =	vperm.xlane v4, v1;
	_ =	sdelay $0x1  }
0x67: {  	v5 =	vadd.s32 v2, v5;
	_ =	sdelay $0x3  }
0x68: {  	v4 =	vperm.xlane v4, v3  }
0x69: {  	[tilespmem:s31], [sflag:$0x1] =	stream.indirect_vreg.gather [hbm4b:s2+s3], $0x80, v5, vm0, $0xb8;
	[tilespmem:$0x18100] =	vst v63  }
0x6a: {  	s7 =	simm.s32 $0x9900;
	v4 =	vadd.s32 v2, v4  }
0x6b: {  	[tilespmem:s7], [sflag:$0x1] =	stream.indirect_vreg.gather [hbm4b:s5+s3], $0x80, v5, vm0, $0xb8;
	[tilespmem:$0x18100] =	vst v63  }
0x6c: {  	s9 =	simm.s32 $0xA100  }
0x6d: {  	[tilespmem:s9], [sflag:$0x1] =	stream.indirect_vreg.gather [hbm4b:s6+s3], $0x80, v5, vm0, $0xb8;
	[tilespmem:$0x18100] =	vst v63  }
0x6e: {  	s9 =	simm.s32 $0xA900  }
0x6f: {  	[tilespmem:s9], [sflag:$0x1] =	stream.indirect_vreg.gather [hbm4b:s2+s3], $0x80, v4, vm0, $0xb8;
	[tilespmem:$0x18100] =	vst v63  }
0x70: {  	_ = 	snop  }
0x71: {  	[tilespmem:s11], [sflag:$0x1] =	stream.indirect_vreg.gather [hbm4b:s5+s3], $0x80, v4, vm0, $0xb8;
	[tilespmem:$0x18100] =	vst v63  }
0x72: {  	_ = 	snop  }
0x73: {  	[tilespmem:s12], [sflag:$0x1] =	stream.indirect_vreg.gather [hbm4b:s6+s3], $0x80, v4, vm0, $0xb8;
	[tilespmem:$0x18100] =	vst v63  }
0x74: {  	v4 =	vld [tilespmem:$0x40];
	_ =	sdelay $0x4  }
0x75: {  	v5 =	vshrl.u32 v4, $0x3  }
0x76: {  	v5 =	vmul.u32 $0x30, v5  }
0x77: {  	v4 =	vand.u32 $0x7, v4  }
0x78: {  	v4 =	vor.u32 v4, v5  }
0x79: {  	v5 =	vperm.xlane v4, v1;
	_ =	sdelay $0x1  }
0x7a: {  	v5 =	vadd.s32 v2, v5;
	_ =	sdelay $0x3  }
0x7b: {  	v4 =	vperm.xlane v4, v3  }
0x7c: {  	[tilespmem:s1], [sflag:$0x2] =	stream.indirect_vreg.gather [hbm4b:s2+s3], $0x80, v5, vm0, $0xb8;
	[tilespmem:$0x18100] =	vst v63  }
0x7d: {  	s4 =	simm.s32 $0xC900;
	v4 =	vadd.s32 v2, v4  }
0x7e: {  	[tilespmem:s4], [sflag:$0x2] =	stream.indirect_vreg.gather [hbm4b:s5+s3], $0x80, v5, vm0, $0xb8;
	[tilespmem:$0x18100] =	vst v63  }
0x7f: {  	s7 =	simm.s32 $0xD100  }
0x80: {  	[tilespmem:s7], [sflag:$0x2] =	stream.indirect_vreg.gather [hbm4b:s6+s3], $0x80, v5, vm0, $0xb8;
	[tilespmem:$0x18100] =	vst v63  }
0x81: {  	s4 =	simm.s32 $0xD900  }
0x82: {  	[tilespmem:s4], [sflag:$0x2] =	stream.indirect_vreg.gather [hbm4b:s2+s3], $0x80, v4, vm0, $0xb8;
	[tilespmem:$0x18100] =	vst v63  }
0x83: {  	s7 =	simm.s32 $0xE100  }
0x84: {  	[tilespmem:s7], [sflag:$0x2] =	stream.indirect_vreg.gather [hbm4b:s5+s3], $0x80, v4, vm0, $0xb8;
	[tilespmem:$0x18100] =	vst v63  }
0x85: {  	s4 =	simm.s32 $0xE900  }
0x86: {  	[tilespmem:s4], [sflag:$0x2] =	stream.indirect_vreg.gather [hbm4b:s6+s3], $0x80, v4, vm0, $0xb8;
	[tilespmem:$0x18100] =	vst v63  }
0x87: {  	v4 =	vld [tilespmem:$0x50];
	_ =	sdelay $0x4  }
0x88: {  	v5 =	vshrl.u32 v4, $0x3  }
0x89: {  	v5 =	vmul.u32 $0x30, v5  }
0x8a: {  	v4 =	vand.u32 $0x7, v4  }
0x8b: {  	v4 =	vor.u32 v4, v5  }
0x8c: {  	v5 =	vperm.xlane v4, v1;
	_ =	sdelay $0x1  }
0x8d: {  	v5 =	vadd.s32 v2, v5;
	_ =	sdelay $0x3  }
0x8e: {  	s7 =	simm.s32 $0xF100;
	v4 =	vperm.xlane v4, v3  }
0x8f: {  	[tilespmem:s7], [sflag:$0x2] =	stream.indirect_vreg.gather [hbm4b:s2+s3], $0x80, v5, vm0, $0xb8;
	[tilespmem:$0x18100] =	vst v63  }
0x90: {  	s4 =	simm.s32 $0xF900;
	v4 =	vadd.s32 v2, v4  }
0x91: {  	[tilespmem:s4], [sflag:$0x2] =	stream.indirect_vreg.gather [hbm4b:s5+s3], $0x80, v5, vm0, $0xb8;
	[tilespmem:$0x18100] =	vst v63  }
0x92: {  	s7 =	simm.s32 $0x10100  }
0x93: {  	[tilespmem:s7], [sflag:$0x2] =	stream.indirect_vreg.gather [hbm4b:s6+s3], $0x80, v5, vm0, $0xb8;
	[tilespmem:$0x18100] =	vst v63  }
0x94: {  	s4 =	simm.s32 $0x10900  }
0x95: {  	[tilespmem:s4], [sflag:$0x2] =	stream.indirect_vreg.gather [hbm4b:s2+s3], $0x80, v4, vm0, $0xb8;
	[tilespmem:$0x18100] =	vst v63  }
0x96: {  	s7 =	simm.s32 $0x11100  }
0x97: {  	[tilespmem:s7], [sflag:$0x2] =	stream.indirect_vreg.gather [hbm4b:s5+s3], $0x80, v4, vm0, $0xb8;
	[tilespmem:$0x18100] =	vst v63  }
0x98: {  	s4 =	simm.s32 $0x11900  }
0x99: {  	[tilespmem:s4], [sflag:$0x2] =	stream.indirect_vreg.gather [hbm4b:s6+s3], $0x80, v4, vm0, $0xb8;
	[tilespmem:$0x18100] =	vst v63  }
0x9a: {  	v4 =	vld [tilespmem:$0x60];
	_ =	sdelay $0x4  }
0x9b: {  	v5 =	vshrl.u32 v4, $0x3  }
0x9c: {  	v5 =	vmul.u32 $0x30, v5  }
0x9d: {  	v4 =	vand.u32 $0x7, v4  }
0x9e: {  	v4 =	vor.u32 v4, v5  }
0x9f: {  	v5 =	vperm.xlane v4, v1;
	_ =	sdelay $0x1  }
0xa0: {  	v5 =	vadd.s32 v2, v5;
	_ =	sdelay $0x3  }
0xa1: {  	s7 =	simm.s32 $0x12100;
	v4 =	vperm.xlane v4, v3  }
0xa2: {  	[tilespmem:s7], [sflag:$0x2] =	stream.indirect_vreg.gather [hbm4b:s2+s3], $0x80, v5, vm0, $0xb8;
	[tilespmem:$0x18100] =	vst v63  }
0xa3: {  	s4 =	simm.s32 $0x12900;
	v4 =	vadd.s32 v2, v4  }
0xa4: {  	[tilespmem:s4], [sflag:$0x2] =	stream.indirect_vreg.gather [hbm4b:s5+s3], $0x80, v5, vm0, $0xb8;
	[tilespmem:$0x18100] =	vst v63  }
0xa5: {  	s7 =	simm.s32 $0x13100  }
0xa6: {  	[tilespmem:s7], [sflag:$0x2] =	stream.indirect_vreg.gather [hbm4b:s6+s3], $0x80, v5, vm0, $0xb8;
	[tilespmem:$0x18100] =	vst v63  }
0xa7: {  	s4 =	simm.s32 $0x13900  }
0xa8: {  	[tilespmem:s4], [sflag:$0x2] =	stream.indirect_vreg.gather [hbm4b:s2+s3], $0x80, v4, vm0, $0xb8;
	[tilespmem:$0x18100] =	vst v63  }
0xa9: {  	s7 =	simm.s32 $0x14100  }
0xaa: {  	[tilespmem:s7], [sflag:$0x2] =	stream.indirect_vreg.gather [hbm4b:s5+s3], $0x80, v4, vm0, $0xb8;
	[tilespmem:$0x18100] =	vst v63  }
0xab: {  	s4 =	simm.s32 $0x14900  }
0xac: {  	[tilespmem:s4], [sflag:$0x2] =	stream.indirect_vreg.gather [hbm4b:s6+s3], $0x80, v4, vm0, $0xb8;
	[tilespmem:$0x18100] =	vst v63  }
0xad: {  	v4 =	vld [tilespmem:$0x70];
	_ =	sdelay $0x4  }
0xae: {  	v5 =	vshrl.u32 v4, $0x3  }
0xaf: {  	v5 =	vmul.u32 $0x30, v5  }
0xb0: {  	v4 =	vand.u32 $0x7, v4  }
0xb1: {  	v4 =	vor.u32 v4, v5  }
0xb2: {  	v5 =	vperm.xlane v4, v1;
	_ =	sdelay $0x1  }
0xb3: {  	v5 =	vadd.s32 v2, v5;
	_ =	sdelay $0x3  }
0xb4: {  	s7 =	simm.s32 $0x15100;
	v4 =	vperm.xlane v4, v3  }
0xb5: {  	[tilespmem:s7], [sflag:$0x2] =	stream.indirect_vreg.gather [hbm4b:s2+s3], $0x80, v5, vm0, $0xb8;
	[tilespmem:$0x18100] =	vst v63  }
0xb6: {  	s4 =	simm.s32 $0x15900;
	v4 =	vadd.s32 v2, v4  }
0xb7: {  	[tilespmem:s4], [sflag:$0x2] =	stream.indirect_vreg.gather [hbm4b:s5+s3], $0x80, v5, vm0, $0xb8;
	[tilespmem:$0x18100] =	vst v63  }
0xb8: {  	s7 =	simm.s32 $0x16100  }
0xb9: {  	[tilespmem:s7], [sflag:$0x2] =	stream.indirect_vreg.gather [hbm4b:s6+s3], $0x80, v5, vm0, $0xb8;
	[tilespmem:$0x18100] =	vst v63  }
0xba: {  	s4 =	simm.s32 $0x16900  }
0xbb: {  	[tilespmem:s4], [sflag:$0x2] =	stream.indirect_vreg.gather [hbm4b:s2+s3], $0x80, v4, vm0, $0xb8;
	[tilespmem:$0x18100] =	vst v63  }
0xbc: {  	s7 =	simm.s32 $0x17100  }
0xbd: {  	[tilespmem:s7], [sflag:$0x2] =	stream.indirect_vreg.gather [hbm4b:s5+s3], $0x80, v4, vm0, $0xb8;
	[tilespmem:$0x18100] =	vst v63  }
0xbe: {  	s0 =	simm.s32 $0x1;
	s4 =	simm.s32 $0x17900  }
0xbf: {  	[tilespmem:s4], [sflag:$0x2] =	stream.indirect_vreg.gather [hbm4b:s6+s3], $0x80, v4, vm0, $0xb8;
	[tilespmem:$0x18100] =	vst v63  }
0xc0: {  	_ =	swait.ge [sflag:s0], $0xC000  }
0xc1: {  	[sflag:s0] =	ssyncset.done $0x0  }
0xc2: {  	s7 =	simm.s32 $0x100;
	s4 =	rddreg [dreg:$0x7];
	[sflag:s0] =	ssyncadd.s32 $0xFFFF4000  }
0xc3: {  	[hbm4b:s4+s3] =	stream.linear.scatter [tilespmem:s7], [sflag:$0x3], $0xC000, $0x38;
	[tilespmem:$0x18100] =	vst v63  }
0xc4: {  	_ =	swait.ge [sflag:s8], $0xC000  }
0xc5: {  	[sflag:s8] =	ssyncset.done $0x0  }
0xc6: {  	[sflag:s8] =	ssyncadd.s32 $0xFFFF4000  }
0xc7: {  	v4 =	vld [tilespmem:$0x80];
	_ =	sdelay $0x4  }
0xc8: {  	v5 =	vshrl.u32 v4, $0x3  }
0xc9: {  	v5 =	vmul.u32 $0x30, v5  }
0xca: {  	v4 =	vand.u32 $0x7, v4  }
0xcb: {  	v4 =	vor.u32 v4, v5  }
0xcc: {  	v5 =	vperm.xlane v4, v1;
	_ =	sdelay $0x1  }
0xcd: {  	v5 =	vadd.s32 v2, v5;
	_ =	sdelay $0x3  }
0xce: {  	v4 =	vperm.xlane v4, v3  }
0xcf: {  	[tilespmem:s7], [sflag:$0x1] =	stream.indirect_vreg.gather [hbm4b:s2+s3], $0x80, v5, vm0, $0xb8;
	[tilespmem:$0x18100] =	vst v63  }
0xd0: {  	v4 =	vadd.s32 v2, v4  }
0xd1: {  	[tilespmem:s13], [sflag:$0x1] =	stream.indirect_vreg.gather [hbm4b:s5+s3], $0x80, v5, vm0, $0xb8;
	[tilespmem:$0x18100] =	vst v63  }
0xd2: {  	_ = 	snop  }
0xd3: {  	[tilespmem:s14], [sflag:$0x1] =	stream.indirect_vreg.gather [hbm4b:s6+s3], $0x80, v5, vm0, $0xb8;
	[tilespmem:$0x18100] =	vst v63  }
0xd4: {  	_ = 	snop  }
0xd5: {  	[tilespmem:s15], [sflag:$0x1] =	stream.indirect_vreg.gather [hbm4b:s2+s3], $0x80, v4, vm0, $0xb8;
	[tilespmem:$0x18100] =	vst v63  }
0xd6: {  	_ = 	snop  }
0xd7: {  	[tilespmem:s16], [sflag:$0x1] =	stream.indirect_vreg.gather [hbm4b:s5+s3], $0x80, v4, vm0, $0xb8;
	[tilespmem:$0x18100] =	vst v63  }
0xd8: {  	_ = 	snop  }
0xd9: {  	[tilespmem:s17], [sflag:$0x1] =	stream.indirect_vreg.gather [hbm4b:s6+s3], $0x80, v4, vm0, $0xb8;
	[tilespmem:$0x18100] =	vst v63  }
0xda: {  	v4 =	vld [tilespmem:$0x90];
	_ =	sdelay $0x4  }
0xdb: {  	v5 =	vshrl.u32 v4, $0x3  }
0xdc: {  	v5 =	vmul.u32 $0x30, v5  }
0xdd: {  	v4 =	vand.u32 $0x7, v4  }
0xde: {  	v4 =	vor.u32 v4, v5  }
0xdf: {  	v5 =	vperm.xlane v4, v1;
	_ =	sdelay $0x1  }
0xe0: {  	v5 =	vadd.s32 v2, v5;
	_ =	sdelay $0x3  }
0xe1: {  	v4 =	vperm.xlane v4, v3  }
0xe2: {  	[tilespmem:s18], [sflag:$0x1] =	stream.indirect_vreg.gather [hbm4b:s2+s3], $0x80, v5, vm0, $0xb8;
	[tilespmem:$0x18100] =	vst v63  }
0xe3: {  	v4 =	vadd.s32 v2, v4  }
0xe4: {  	[tilespmem:s19], [sflag:$0x1] =	stream.indirect_vreg.gather [hbm4b:s5+s3], $0x80, v5, vm0, $0xb8;
	[tilespmem:$0x18100] =	vst v63  }
0xe5: {  	_ = 	snop  }
0xe6: {  	[tilespmem:s20], [sflag:$0x1] =	stream.indirect_vreg.gather [hbm4b:s6+s3], $0x80, v5, vm0, $0xb8;
	[tilespmem:$0x18100] =	vst v63  }
0xe7: {  	_ = 	snop  }
0xe8: {  	[tilespmem:s21], [sflag:$0x1] =	stream.indirect_vreg.gather [hbm4b:s2+s3], $0x80, v4, vm0, $0xb8;
	[tilespmem:$0x18100] =	vst v63  }
0xe9: {  	_ = 	snop  }
0xea: {  	[tilespmem:s22], [sflag:$0x1] =	stream.indirect_vreg.gather [hbm4b:s5+s3], $0x80, v4, vm0, $0xb8;
	[tilespmem:$0x18100] =	vst v63  }
0xeb: {  	_ = 	snop  }
0xec: {  	[tilespmem:s23], [sflag:$0x1] =	stream.indirect_vreg.gather [hbm4b:s6+s3], $0x80, v4, vm0, $0xb8;
	[tilespmem:$0x18100] =	vst v63  }
0xed: {  	v4 =	vld [tilespmem:$0xA0];
	_ =	sdelay $0x4  }
0xee: {  	v5 =	vshrl.u32 v4, $0x3  }
0xef: {  	v5 =	vmul.u32 $0x30, v5  }
0xf0: {  	v4 =	vand.u32 $0x7, v4  }
0xf1: {  	v4 =	vor.u32 v4, v5  }
0xf2: {  	v5 =	vperm.xlane v4, v1;
	_ =	sdelay $0x1  }
0xf3: {  	v5 =	vadd.s32 v2, v5;
	_ =	sdelay $0x3  }
0xf4: {  	v4 =	vperm.xlane v4, v3  }
0xf5: {  	[tilespmem:s24], [sflag:$0x1] =	stream.indirect_vreg.gather [hbm4b:s2+s3], $0x80, v5, vm0, $0xb8;
	[tilespmem:$0x18100] =	vst v63  }
0xf6: {  	v4 =	vadd.s32 v2, v4  }
0xf7: {  	[tilespmem:s25], [sflag:$0x1] =	stream.indirect_vreg.gather [hbm4b:s5+s3], $0x80, v5, vm0, $0xb8;
	[tilespmem:$0x18100] =	vst v63  }
0xf8: {  	_ = 	snop  }
0xf9: {  	[tilespmem:s26], [sflag:$0x1] =	stream.indirect_vreg.gather [hbm4b:s6+s3], $0x80, v5, vm0, $0xb8;
	[tilespmem:$0x18100] =	vst v63  }
0xfa: {  	_ = 	snop  }
0xfb: {  	[tilespmem:s28], [sflag:$0x1] =	stream.indirect_vreg.gather [hbm4b:s2+s3], $0x80, v4, vm0, $0xb8;
	[tilespmem:$0x18100] =	vst v63  }
0xfc: {  	_ = 	snop  }
0xfd: {  	[tilespmem:s29], [sflag:$0x1] =	stream.indirect_vreg.gather [hbm4b:s5+s3], $0x80, v4, vm0, $0xb8;
	[tilespmem:$0x18100] =	vst v63  }
0xfe: {  	_ = 	snop  }
0xff: {  	[tilespmem:s30], [sflag:$0x1] =	stream.indirect_vreg.gather [hbm4b:s6+s3], $0x80, v4, vm0, $0xb8;
	[tilespmem:$0x18100] =	vst v63  }
0x100: {  	v4 =	vld [tilespmem:$0xB0];
	_ =	sdelay $0x4  }
0x101: {  	v5 =	vshrl.u32 v4, $0x3  }
0x102: {  	v5 =	vmul.u32 $0x30, v5  }
0x103: {  	v4 =	vand.u32 $0x7, v4  }
0x104: {  	v4 =	vor.u32 v4, v5  }
0x105: {  	v5 =	vperm.xlane v4, v1;
	_ =	sdelay $0x1  }
0x106: {  	v5 =	vadd.s32 v2, v5;
	_ =	sdelay $0x3  }
0x107: {  	v4 =	vperm.xlane v4, v3  }
0x108: {  	[tilespmem:s31], [sflag:$0x1] =	stream.indirect_vreg.gather [hbm4b:s2+s3], $0x80, v5, vm0, $0xb8;
	[tilespmem:$0x18100] =	vst v63  }
0x109: {  	s4 =	simm.s32 $0x9900;
	v4 =	vadd.s32 v2, v4  }
0x10a: {  	[tilespmem:s4], [sflag:$0x1] =	stream.indirect_vreg.gather [hbm4b:s5+s3], $0x80, v5, vm0, $0xb8;
	[tilespmem:$0x18100] =	vst v63  }
0x10b: {  	s4 =	simm.s32 $0xA100  }
0x10c: {  	[tilespmem:s4], [sflag:$0x1] =	stream.indirect_vreg.gather [hbm4b:s6+s3], $0x80, v5, vm0, $0xb8;
	[tilespmem:$0x18100] =	vst v63  }
0x10d: {  	_ = 	snop  }
0x10e: {  	[tilespmem:s9], [sflag:$0x1] =	stream.indirect_vreg.gather [hbm4b:s2+s3], $0x80, v4, vm0, $0xb8;
	[tilespmem:$0x18100] =	vst v63  }
0x10f: {  	_ = 	snop  }
0x110: {  	[tilespmem:s11], [sflag:$0x1] =	stream.indirect_vreg.gather [hbm4b:s5+s3], $0x80, v4, vm0, $0xb8;
	[tilespmem:$0x18100] =	vst v63  }
0x111: {  	s9 =	simm.s32 $0x2  }
0x112: {  	[tilespmem:s12], [sflag:$0x1] =	stream.indirect_vreg.gather [hbm4b:s6+s3], $0x80, v4, vm0, $0xb8;
	[tilespmem:$0x18100] =	vst v63  }
0x113: {  	_ =	swait.ge [sflag:s9], $0xC000  }
0x114: {  	[sflag:s9] =	ssyncset.done $0x0  }
0x115: {  	s4 =	rddreg [dreg:$0x4];
	[sflag:s9] =	ssyncadd.s32 $0xFFFF4000  }
0x116: {  	[hbm4b:s4+s3] =	stream.linear.scatter [tilespmem:s1], [sflag:$0x3], $0xC000, $0x38;
	[tilespmem:$0x18100] =	vst v63  }
0x117: {  	_ =	swait.ge [sflag:s8], $0xC000  }
0x118: {  	[sflag:s8] =	ssyncset.done $0x0  }
0x119: {  	[sflag:s8] =	ssyncadd.s32 $0xFFFF4000  }
0x11a: {  	v4 =	vld [tilespmem:$0xC0];
	_ =	sdelay $0x4  }
0x11b: {  	v5 =	vshrl.u32 v4, $0x3  }
0x11c: {  	v5 =	vmul.u32 $0x30, v5  }
0x11d: {  	v4 =	vand.u32 $0x7, v4  }
0x11e: {  	v4 =	vor.u32 v4, v5  }
0x11f: {  	v5 =	vperm.xlane v4, v1;
	_ =	sdelay $0x1  }
0x120: {  	v5 =	vadd.s32 v2, v5;
	_ =	sdelay $0x3  }
0x121: {  	v4 =	vperm.xlane v4, v3  }
0x122: {  	[tilespmem:s1], [sflag:$0x2] =	stream.indirect_vreg.gather [hbm4b:s2+s3], $0x80, v5, vm0, $0xb8;
	[tilespmem:$0x18100] =	vst v63  }
0x123: {  	s4 =	simm.s32 $0xC900;
	v4 =	vadd.s32 v2, v4  }
0x124: {  	[tilespmem:s4], [sflag:$0x2] =	stream.indirect_vreg.gather [hbm4b:s5+s3], $0x80, v5, vm0, $0xb8;
	[tilespmem:$0x18100] =	vst v63  }
0x125: {  	s4 =	simm.s32 $0xD100  }
0x126: {  	[tilespmem:s4], [sflag:$0x2] =	stream.indirect_vreg.gather [hbm4b:s6+s3], $0x80, v5, vm0, $0xb8;
	[tilespmem:$0x18100] =	vst v63  }
0x127: {  	s4 =	simm.s32 $0xD900  }
0x128: {  	[tilespmem:s4], [sflag:$0x2] =	stream.indirect_vreg.gather [hbm4b:s2+s3], $0x80, v4, vm0, $0xb8;
	[tilespmem:$0x18100] =	vst v63  }
0x129: {  	s4 =	simm.s32 $0xE100  }
0x12a: {  	[tilespmem:s4], [sflag:$0x2] =	stream.indirect_vreg.gather [hbm4b:s5+s3], $0x80, v4, vm0, $0xb8;
	[tilespmem:$0x18100] =	vst v63  }
0x12b: {  	s4 =	simm.s32 $0xE900  }
0x12c: {  	[tilespmem:s4], [sflag:$0x2] =	stream.indirect_vreg.gather [hbm4b:s6+s3], $0x80, v4, vm0, $0xb8;
	[tilespmem:$0x18100] =	vst v63  }
0x12d: {  	v4 =	vld [tilespmem:$0xD0];
	_ =	sdelay $0x4  }
0x12e: {  	v5 =	vshrl.u32 v4, $0x3  }
0x12f: {  	v5 =	vmul.u32 $0x30, v5  }
0x130: {  	v4 =	vand.u32 $0x7, v4  }
0x131: {  	v4 =	vor.u32 v4, v5  }
0x132: {  	v5 =	vperm.xlane v4, v1;
	_ =	sdelay $0x1  }
0x133: {  	v5 =	vadd.s32 v2, v5;
	_ =	sdelay $0x3  }
0x134: {  	s4 =	simm.s32 $0xF100;
	v4 =	vperm.xlane v4, v3  }
0x135: {  	[tilespmem:s4], [sflag:$0x2] =	stream.indirect_vreg.gather [hbm4b:s2+s3], $0x80, v5, vm0, $0xb8;
	[tilespmem:$0x18100] =	vst v63  }
0x136: {  	v4 =	vadd.s32 v2, v4;
	s4 =	simm.s32 $0xF900  }
0x137: {  	[tilespmem:s4], [sflag:$0x2] =	stream.indirect_vreg.gather [hbm4b:s5+s3], $0x80, v5, vm0, $0xb8;
	[tilespmem:$0x18100] =	vst v63  }
0x138: {  	s4 =	simm.s32 $0x10100  }
0x139: {  	[tilespmem:s4], [sflag:$0x2] =	stream.indirect_vreg.gather [hbm4b:s6+s3], $0x80, v5, vm0, $0xb8;
	[tilespmem:$0x18100] =	vst v63  }
0x13a: {  	s4 =	simm.s32 $0x10900  }
0x13b: {  	[tilespmem:s4], [sflag:$0x2] =	stream.indirect_vreg.gather [hbm4b:s2+s3], $0x80, v4, vm0, $0xb8;
	[tilespmem:$0x18100] =	vst v63  }
0x13c: {  	s4 =	simm.s32 $0x11100  }
0x13d: {  	[tilespmem:s4], [sflag:$0x2] =	stream.indirect_vreg.gather [hbm4b:s5+s3], $0x80, v4, vm0, $0xb8;
	[tilespmem:$0x18100] =	vst v63  }
0x13e: {  	s4 =	simm.s32 $0x11900  }
0x13f: {  	[tilespmem:s4], [sflag:$0x2] =	stream.indirect_vreg.gather [hbm4b:s6+s3], $0x80, v4, vm0, $0xb8;
	[tilespmem:$0x18100] =	vst v63  }
0x140: {  	v4 =	vld [tilespmem:$0xE0];
	_ =	sdelay $0x4  }
0x141: {  	v5 =	vshrl.u32 v4, $0x3  }
0x142: {  	v5 =	vmul.u32 $0x30, v5  }
0x143: {  	v4 =	vand.u32 $0x7, v4  }
0x144: {  	v4 =	vor.u32 v4, v5  }
0x145: {  	v5 =	vperm.xlane v4, v1;
	_ =	sdelay $0x1  }
0x146: {  	v5 =	vadd.s32 v2, v5;
	_ =	sdelay $0x3  }
0x147: {  	s4 =	simm.s32 $0x12100;
	v4 =	vperm.xlane v4, v3  }
0x148: {  	[tilespmem:s4], [sflag:$0x2] =	stream.indirect_vreg.gather [hbm4b:s2+s3], $0x80, v5, vm0, $0xb8;
	[tilespmem:$0x18100] =	vst v63  }
0x149: {  	v4 =	vadd.s32 v2, v4;
	s4 =	simm.s32 $0x12900  }
0x14a: {  	[tilespmem:s4], [sflag:$0x2] =	stream.indirect_vreg.gather [hbm4b:s5+s3], $0x80, v5, vm0, $0xb8;
	[tilespmem:$0x18100] =	vst v63  }
0x14b: {  	s4 =	simm.s32 $0x13100  }
0x14c: {  	[tilespmem:s4], [sflag:$0x2] =	stream.indirect_vreg.gather [hbm4b:s6+s3], $0x80, v5, vm0, $0xb8;
	[tilespmem:$0x18100] =	vst v63  }
0x14d: {  	s4 =	simm.s32 $0x13900  }
0x14e: {  	[tilespmem:s4], [sflag:$0x2] =	stream.indirect_vreg.gather [hbm4b:s2+s3], $0x80, v4, vm0, $0xb8;
	[tilespmem:$0x18100] =	vst v63  }
0x14f: {  	s4 =	simm.s32 $0x14100  }
0x150: {  	[tilespmem:s4], [sflag:$0x2] =	stream.indirect_vreg.gather [hbm4b:s5+s3], $0x80, v4, vm0, $0xb8;
	[tilespmem:$0x18100] =	vst v63  }
0x151: {  	s4 =	simm.s32 $0x14900  }
0x152: {  	[tilespmem:s4], [sflag:$0x2] =	stream.indirect_vreg.gather [hbm4b:s6+s3], $0x80, v4, vm0, $0xb8;
	[tilespmem:$0x18100] =	vst v63  }
0x153: {  	v4 =	vld [tilespmem:$0xF0];
	_ =	sdelay $0x4  }
0x154: {  	v5 =	vshrl.u32 v4, $0x3  }
0x155: {  	v5 =	vmul.u32 $0x30, v5  }
0x156: {  	v4 =	vand.u32 $0x7, v4  }
0x157: {  	v4 =	vor.u32 v4, v5  }
0x158: {  	v5 =	vperm.xlane v4, v1;
	_ =	sdelay $0x1  }
0x159: {  	v5 =	vadd.s32 v2, v5;
	_ =	sdelay $0x3  }
0x15a: {  	s4 =	simm.s32 $0x15100;
	v4 =	vperm.xlane v4, v3  }
0x15b: {  	[tilespmem:s4], [sflag:$0x2] =	stream.indirect_vreg.gather [hbm4b:s2+s3], $0x80, v5, vm0, $0xb8;
	[tilespmem:$0x18100] =	vst v63  }
0x15c: {  	v4 =	vadd.s32 v2, v4;
	s4 =	simm.s32 $0x15900  }
0x15d: {  	[tilespmem:s4], [sflag:$0x2] =	stream.indirect_vreg.gather [hbm4b:s5+s3], $0x80, v5, vm0, $0xb8;
	[tilespmem:$0x18100] =	vst v63  }
0x15e: {  	s4 =	simm.s32 $0x16100  }
0x15f: {  	[tilespmem:s4], [sflag:$0x2] =	stream.indirect_vreg.gather [hbm4b:s6+s3], $0x80, v5, vm0, $0xb8;
	[tilespmem:$0x18100] =	vst v63  }
0x160: {  	s4 =	simm.s32 $0x16900  }
0x161: {  	[tilespmem:s4], [sflag:$0x2] =	stream.indirect_vreg.gather [hbm4b:s2+s3], $0x80, v4, vm0, $0xb8;
	[tilespmem:$0x18100] =	vst v63  }
0x162: {  	s4 =	simm.s32 $0x17100  }
0x163: {  	[tilespmem:s4], [sflag:$0x2] =	stream.indirect_vreg.gather [hbm4b:s5+s3], $0x80, v4, vm0, $0xb8;
	[tilespmem:$0x18100] =	vst v63  }
0x164: {  	s4 =	simm.s32 $0x17900  }
0x165: {  	[tilespmem:s4], [sflag:$0x2] =	stream.indirect_vreg.gather [hbm4b:s6+s3], $0x80, v4, vm0, $0xb8;
	[tilespmem:$0x18100] =	vst v63  }
0x166: {  	_ =	swait.ge [sflag:s0], $0xC000  }
0x167: {  	[sflag:s0] =	ssyncset.done $0x0  }
0x168: {  	s7 =	simm.s32 $0x100;
	s4 =	rddreg [dreg:$0x5];
	[sflag:s0] =	ssyncadd.s32 $0xFFFF4000  }
0x169: {  	[hbm4b:s4+s3] =	stream.linear.scatter [tilespmem:s7], [sflag:$0x3], $0xC000, $0x38;
	[tilespmem:$0x18100] =	vst v63  }
0x16a: {  	_ =	swait.ge [sflag:s8], $0xC000  }
0x16b: {  	[sflag:s8] =	ssyncset.done $0x0  }
0x16c: {  	[sflag:s8] =	ssyncadd.s32 $0xFFFF4000  }
0x16d: {  	_ =	swait.ge [sflag:s9], $0xC000  }
0x16e: {  	p0 =	sne.s32 s10, $0x1;
	[sflag:s9] =	ssyncset.done $0x0  }
.Ltmp0:
0x16f: {  	s7 =	rddreg [dreg:$0x6];
	[sflag:s9] =	ssyncadd.s32 $0xFFFF4000;
	(pc) =	sbr.rel @p0 .LBB2_1-.Ltmp0, $4  }
0x170: {  	[hbm4b:s7+s3] =	stream.linear.scatter [tilespmem:s1], [sflag:$0x3], $0xC000, $0x38;
	[tilespmem:$0x18100] =	vst v63  }
0x171: {  	_ =	swait.ge [sflag:s8], $0xC000  }
0x172: {  	[sflag:s8] =	ssyncset.done $0x0  }
0x173: {  	s10 =	sadd.s32 $0xFFFFFFFF, s10;
	[sflag:s8] =	ssyncadd.s32 $0xFFFF4000  }
0x174: {  	_ =	sfence.sel $0x180000  }
0x175: {  	[bflag:$0x0] =	sbarrier.arrive $0xFFFF  }
0x176: {  	_ =	strace $0x90000047  }
0x177: {  	s0 =	stileid.u32;
	[bflag:$0x2] =	sbarrier.arrive $0xFFFF  }
0x178: {  	p0 =	sne.s32 s0, $0x0;
	s0 =	rddreg [dreg:$0x2]  }
0x179: {  	s0 =	sadd.s32 @!p0 $0x100000, s0  }
0x17a: {  	[sflag:s0] =	ssyncadd.tile.s32 @!p0 $0x1;
	_ =	shalt  }
.Lfunc_end2:
_tile_overlayer_lowered:
.L_overlay_start_2:
0x17b: {  	(tag) =	ssettag $0x2  }
0x17c: {  	s0 =	rddreg [dreg:$0x0];
	s2 =	stileid.u32  }
0x17d: {  	s1 =	rddreg [dreg:$0x1];
	p0 =	sne.s32 s2, $0x0  }
0x17e: {  	s3 =	rddreg [dreg:$0x2];
	[bflag:$0x3] =	sbarrier.arrive $0xFFFF;
	s2 =	simm.s32 @!p0 $0x1C03  }
0x17f: {  	[timem:s3], [sflag:s2] =	dma.local @!p0 [hbm:s0], s1  }
0x180: {  	s0 =	simm.s32 @!p0 $0x3  }
0x181: {  	_ =	swait.ge @!p0 [sflag:s0], s1  }
0x182: {  	s1 =	ssub.s32 @!p0 $0x0, s1;
	[sflag:s0] =	ssyncset.done @!p0 $0x0  }
0x183: {  	[sflag:s0] =	ssyncadd.s32 @!p0 s1  }
0x184: {  	[bflag:$0x3] =	sbarrier.arrive $0xFFFF  }
0x185: {  	_ =	shalt  }

// kernel: kernel.9.cloned.1.call-start
scs
__scs_entry_jumppad:
0x0: {  	(pc) =	sbr.rel $0x88, $3  }
0x1: {  	(tag) =	ssettag $0x0;
	lr =	simm.s32 $0x1  }
0x2: {  	[smem:$0x3F9B] =	sst lr;
	_ =	strace $0xD0000000  }
0x3: {  	_ = 	snop  }
0x4: {  	_ = 	snop  }
0x5: {  	_ = 	snop  }
0x6: {  	_ = 	snop  }
0x7: {  	_ = 	snop  }
__scs_overlays_trampoline_lowered:
0x8: {  	[smem:$0x3FAA] =	sst s0  }
0x9: {  	[smem:$0x3FAB] =	sst s1  }
0xa: {  	[smem:$0x3FAC] =	sst s2  }
0xb: {  	[smem:$0x3FAD] =	sst s3  }
0xc: {  	[smem:$0x3FAE] =	sst s4  }
0xd: {  	[smem:$0x3FAF] =	sst s5  }
0xe: {  	[smem:$0x3FB0] =	sst s6  }
0xf: {  	[smem:$0x3FB1] =	sst s7  }
0x10: {  	[smem:$0x3FB2] =	sst s8  }
0x11: {  	[smem:$0x3FB3] =	sst s9;
	s0 =	simm.s32 @!p0 $0x0  }
0x12: {  	s1 =	sld [smem:$0x3F99];
	s0 =	simm.s32 @p0 $0x1  }
0x13: {  	[smem:$0x3FB4] =	sst s0;
	s0 =	simm.s32 @!p1 $0x0  }
0x14: {  	s2 =	sld [smem:$0x3F98];
	s0 =	simm.s32 @p1 $0x1  }
0x15: {  	[smem:$0x3FB5] =	sst s0;
	s0 =	simm.s32 @!p2 $0x0  }
0x16: {  	s3 =	sld [smem:$0x3FDB];
	s0 =	simm.s32 @p2 $0x1  }
0x17: {  	s4 =	simm.s32 $0x1BF5;
	[smem:$0x3FB7] =	sst s0  }
0x18: {  	s0 =	sld [smem:$0x3F9A];
	_ =	swait.ge [sflag:s4], $0x0  }
0x19: {  	s7 =	sld [smem:$0x3F9B]  }
0x1a: {  	s8 =	sadd.s32 $0xFFFFE003, lr  }
0x1b: {  	s9 =	sadd.s32 $0xFFFFFEF7, lr;
	s5 =	simm.s32 $0xFFFFFFFF;
	p2 =	slt.u32 s8, $0xFFFFF086  }
0x1c: {  	p1 =	slt.u32 s9, $0xF7A;
	s5 =	simm.s32 @!p2 $0x0  }
0x1d: {  	s5 =	simm.s32 @p1 $0x1;
	p0 =	seq.s32 s7, s2  }
0x1e: {  	s7 =	smul.u32 @!p0 $0xF7A, s2;
	p2 =	seq.s32 @!p0 s5, $0x0  }
0x1f: {  	s9 =	smul.u32 $0xF7A, s1;
	s8 =	simm.s32 @!p0 $0x1BF5;
	p2 =	por !p2, p0  }
0x20: {  	[sflag:s8] =	ssyncset.s32 @!p0 $0xFFFFF086;
	s6 =	sadd.s32 @!p0 s3, s7;
	s7 =	simm.s32 @!p0 $0x108  }
0x21: {  	s3 =	sadd.s32 s3, s9;
	s6 =	sadd.s32 @!p0 $0x88, s6;
	s7 =	simm.s32 @p2 $0x1082  }
0x22: {  	[simem:s7], [sflag:s8] =	dma.local @!p0 [hbm:s6], $0xF7A  }
0x23: {  	s9 =	sor.u32 $0xD0000000, s2;
	s6 =	simm.s32 $0x108;
	_ =	swait.ge @!p0 [sflag:s8], $0x0  }
0x24: {  	s3 =	sadd.s32 $0x88, s3;
	s6 =	simm.s32 @!p1 $0x1082;
	[sflag:s4] =	ssyncset.s32 $0xFFFFF086  }
0x25: {  	[simem:s6], [sflag:s4] =	dma.local [hbm:s3], $0xF7A  }
0x26: {  	[smem:$0x3F9B] =	sst s1;
	(tag) =	ssettag s2;
	_ =	strace s9  }
0x27: {  	s1 =	sld [smem:$0x3FAB]  }
0x28: {  	s2 =	sld [smem:$0x3FAC]  }
0x29: {  	s4 =	sld [smem:$0x3FAE]  }
0x2a: {  	p0 =	seq.s32 s5, $0x0;
	s5 =	sld [smem:$0x3FAF]  }
0x2b: {  	s6 =	sld [smem:$0x3FB0]  }
0x2c: {  	s7 =	sld [smem:$0x3FB1]  }
0x2d: {  	s3 =	simm.s32 $0x108;
	s8 =	sld [smem:$0x3FB2]  }
0x2e: {  	s3 =	simm.s32 @!p0 $0x1082;
	s9 =	sld [smem:$0x3FB3]  }
0x2f: {  	lr =	sadd.s32 s0, s3;
	s0 =	sld [smem:$0x3FAA]  }
0x30: {  	s3 =	sld [smem:$0x3FAD]  }
0x31: {  	[smem:$0x3FB6] =	sst s10  }
0x32: {  	s10 =	sld [smem:$0x3FB4];
	_ =	sdelay $0x3  }
0x33: {  	p0 =	seq.s32 s10, $0x1;
	s10 =	sld [smem:$0x3FB6];
	_ =	sdelay $0x3  }
0x34: {  	[smem:$0x3FB6] =	sst s10  }
0x35: {  	s10 =	sld [smem:$0x3FB5];
	_ =	sdelay $0x3  }
0x36: {  	p1 =	seq.s32 s10, $0x1;
	s10 =	sld [smem:$0x3FB6];
	_ =	sdelay $0x3  }
0x37: {  	[smem:$0x3FB6] =	sst s10  }
0x38: {  	s10 =	sld [smem:$0x3FB7]  }
0x39: {  	_ = 	snop;
	(pc) =	sbr.ind lr, $3  }
0x3a: {  	_ = 	snop  }
0x3b: {  	_ = 	snop  }
0x3c: {  	p2 =	seq.s32 s10, $0x1;
	s10 =	sld [smem:$0x3FB6]  }
0x3d: {  	_ =	shalt  }
0x3e: {  	_ =	shalt  }
0x3f: {  	_ =	shalt  }
0x40: {  	_ =	shalt  }
0x41: {  	_ =	shalt  }
0x42: {  	_ =	shalt  }
0x43: {  	_ =	shalt  }
0x44: {  	_ =	shalt  }
0x45: {  	_ =	shalt  }
0x46: {  	_ =	shalt  }
0x47: {  	_ =	shalt  }
0x48: {  	_ =	shalt  }
0x49: {  	_ =	shalt  }
0x4a: {  	_ =	shalt  }
0x4b: {  	_ =	shalt  }
0x4c: {  	_ =	shalt  }
0x4d: {  	_ =	shalt  }
0x4e: {  	_ =	shalt  }
0x4f: {  	_ =	shalt  }
0x50: {  	_ =	shalt  }
0x51: {  	_ =	shalt  }
0x52: {  	_ =	shalt  }
0x53: {  	_ =	shalt  }
0x54: {  	_ =	shalt  }
0x55: {  	_ =	shalt  }
0x56: {  	_ =	shalt  }
0x57: {  	_ =	shalt  }
0x58: {  	_ =	shalt  }
0x59: {  	_ =	shalt  }
0x5a: {  	_ =	shalt  }
0x5b: {  	_ =	shalt  }
0x5c: {  	_ =	shalt  }
0x5d: {  	_ =	shalt  }
0x5e: {  	_ =	shalt  }
0x5f: {  	_ =	shalt  }
0x60: {  	_ =	shalt  }
0x61: {  	_ =	shalt  }
0x62: {  	_ =	shalt  }
0x63: {  	_ =	shalt  }
0x64: {  	_ =	shalt  }
0x65: {  	_ =	shalt  }
0x66: {  	_ =	shalt  }
0x67: {  	_ =	shalt  }
0x68: {  	_ =	shalt  }
0x69: {  	_ =	shalt  }
0x6a: {  	_ =	shalt  }
0x6b: {  	_ =	shalt  }
0x6c: {  	_ =	shalt  }
0x6d: {  	_ =	shalt  }
0x6e: {  	_ =	shalt  }
0x6f: {  	_ =	shalt  }
0x70: {  	_ =	shalt  }
0x71: {  	_ =	shalt  }
0x72: {  	_ =	shalt  }
0x73: {  	_ =	shalt  }
0x74: {  	_ =	shalt  }
0x75: {  	_ =	shalt  }
0x76: {  	_ =	shalt  }
0x77: {  	_ =	shalt  }
0x78: {  	_ =	shalt  }
0x79: {  	_ =	shalt  }
0x7a: {  	_ =	shalt  }
0x7b: {  	_ =	shalt  }
0x7c: {  	_ =	shalt  }
0x7d: {  	_ =	shalt  }
0x7e: {  	_ =	shalt  }
0x7f: {  	_ =	shalt  }
0x80: {  	_ =	shalt  }
0x81: {  	_ =	shalt  }
0x82: {  	_ =	shalt  }
0x83: {  	_ =	shalt  }
0x84: {  	_ =	shalt  }
0x85: {  	_ =	shalt  }
0x86: {  	_ =	shalt  }
0x87: {  	_ =	shalt  }
.Lfunc_end0:
.L_simem_size_0:
called_computation.1_lowered:
.L_overlay_start_0:
0x88: {  	s2 =	sld [smem:$0x3FD9]  }
0x89: {  	s3 =	sld [smem:$0x3FFE];
	_ =	sdelay $0x1  }
0x8a: {  	s1 =	srdreg.scid  }
0x8b: {  	s0 =	sand.u32 $0x1, s1  }
0x8c: {  	s17 =	sshll.u32 s0, $0xA;
	s2 =	sadd.s32 s3, s2  }
0x8d: {  	s2 =	sadd.s32 s2, s17  }
0x8e: {  	[smem:$0x3FC2] =	sst s2  }
0x8f: {  	_ = 	snop  }
0x90: {  	s2 =	sld [smem:$0x3FD0];
	(tm) =	ssettm $0x1  }
0x91: {  	s18 =	sld [smem:$0x3FFB];
	_ =	sdelay $0x3  }
0x92: {  	_ =	strace s18  }
0x93: {  	s3 =	sld [smem:$0x3FFC];
	_ =	sdelay $0x3  }
0x94: {  	_ =	strace s3  }
0x95: {  	s3 =	sld [smem:$0x3FFD];
	_ =	sdelay $0x3  }
0x96: {  	_ =	strace s3  }
0x97: {  	_ =	strace $0x8FFFFFFF  }
0x98: {  	s19 =	sld [smem:$0x3FDB];
	_ =	sdelay $0x1  }
0x99: {  	s4 =	simm.s32 $_scs_section_size  }
0x9a: {  	s5 =	simm.s32 $_size__tile_overlayer_lowered;
	s6 =	simm.s32 $_tile_overlayer_lowered  }
0x9b: {  	s22 =	simm.s32 $0x1BFF;
	s21 =	sshll.u32 s6, $0x1;
	s3 =	sadd.s32 s4, s19  }
0x9c: {  	s7 =	simm.s32 $0x0;
	s20 =	sshll.u32 s5, $0x1;
	s5 =	sadd.s32 s21, s3  }
0x9d: {  	[timem:s7], [sflag:s22] =	dma.local [hbm:s5], s20  }
0x9e: {  	_ =	swait.ge [sflag:s22], s20  }
0x9f: {  	s4 =	ssub.s32 $0x0, s20;
	[sflag:s22] =	ssyncset.done $0x0  }
0xa0: {  	[sflag:s22] =	ssyncadd.s32 s4;
	_ =	sdelay $0x1  }
0xa1: {  	s23 =	simm.s32 $0x1B8B  }
0xa2: {  	_ =	swait.ge [sflag:s23], $0x1  }
0xa3: {  	[sflag:s23] =	ssyncset.done $0x0  }
0xa4: {  	s25 =	simm.s32 $0x1B8E;
	s24 =	sld [smem:$0x3FFE];
	[sflag:s23] =	ssyncadd.s32 $0xFFFFFFFF  }
0xa5: {  	s26 =	simm.s32 $execute0_lowered;
	[smem:$0x3FD2] =	sst s25  }
0xa6: {  	s5 =	sshll.u32 s26, $0x1;
	_ =	strace $0x80000049;
	[dreg:$0x1] =	wrdreg $0xFFFFFFFF  }
0xa7: {  	s28 =	simm.s32 $_size_execute0_lowered;
	s3 =	sadd.s32 s3, s5;
	[dreg:$0x0] =	wrdreg $0x0  }
0xa8: {  	s5 =	sshll.u32 s28, $0x1;
	[dreg:$0x2] =	wrdreg s3  }
0xa9: {  	[dreg:$0x3] =	wrdreg s5  }
0xaa: {  	[dreg:$0x4] =	wrdreg $0xC0  }
0xab: {  	_ =	task [dreg:s7], $0x5FFFF  }
0xac: {  	[dreg:$0x1] =	wrdreg $0xFFFFFFFF  }
0xad: {  	[dreg:$0x0] =	wrdreg $0x60  }
0xae: {  	[dreg:$0x2] =	wrdreg s24  }
0xaf: {  	[dreg:$0x3] =	wrdreg s2  }
0xb0: {  	[dreg:$0x4] =	wrdreg $0x9  }
0xb1: {  	_ =	task.clear_ibuf [dreg:s7], $0x5FFFF;
	_ =	strace $0x90000049  }
0xb2: {  	s29 =	simm.s32 $0x9;
	_ =	strace $0x8000004B  }
0xb3: {  	_ =	swait.ge [sflag:s29], $0x1  }
0xb4: {  	[sflag:s29] =	ssyncadd.s32 $0xFFFFFFFF  }
0xb5: {  	_ =	strace $0x9000004B  }
0xb6: {  	_ =	sfence  }
0xb7: {  	s30 =	sld [smem:$0x0];
	_ =	sdelay $0x2  }
0xb8: {  	s31 =	sshll.u32 s1, $0xD;
	s1 =	sshrl.u32 s1, $0x2  }
0xb9: {  	s3 =	sand.u32 $0x4000, s31;
	s1 =	sadd.s32 s1, s30  }
0xba: {  	s0 =	sor.u32 s3, s0;
	s1 =	sshll.u32 s1, $0x11  }
0xbb: {  	s0 =	sor.u32 s1, s0  }
0xbc: {  	s0 =	sadd.s32 $0x8F2B, s0  }
0xbd: {  	[sflag:s0] =	ssyncadd.remote.s32 $0x1  }
0xbe: {  	_ =	sfence.sel $0xFFFF  }
0xbf: {  	[dreg:$0x0] =	wrdreg $0xFFFFFFFF;
	(pc) =	sbr.abs _section_cstart, $3  }
0xc0: {  	[dreg:$0x1] =	wrdreg $0xFFFFFFFF  }
0xc1: {  	_ =	task.clear_ibuf [dreg:s7], $0x2FFFF;
	_ =	strace $0x9FFFFFFF  }
0xc2: {  	(tm) =	ssettm $0x7FFFFFFF  }
0xc3: {  	_ =	shalt  }
tec
execute0_lowered:
.L_overlay_start_1:
0x0: {  	(tag) =	ssettag $0x1  }
0x1: {  	s0 =	srdreg.scid  }
0x2: {  	s2 =	stileid.u32;
	s1 =	rddreg [dreg:$0x0]  }
0x3: {  	s13 =	simm.s32 $0x900;
	s14 =	simm.s32 $0x1100;
	s15 =	simm.s32 $0x1900  }
0x4: {  	s16 =	simm.s32 $0x2100;
	s17 =	simm.s32 $0x2900;
	s18 =	simm.s32 $0x3100  }
0x5: {  	s19 =	simm.s32 $0x3900;
	s20 =	simm.s32 $0x4100;
	s21 =	simm.s32 $0x4900  }
0x6: {  	s22 =	simm.s32 $0x5100;
	s28 =	simm.s32 $0x7900;
	s29 =	simm.s32 $0x8100  }
0x7: {  	s30 =	simm.s32 $0x8900;
	s31 =	simm.s32 $0x9100;
	s12 =	simm.s32 $0xB900  }
0x8: {  	s0 =	sand.u32 $0x1, s0;
	s4 =	sshll.u32 s2, $0x9;
	s2 =	rddreg [dreg:$0x1]  }
0x9: {  	s3 =	sshll.u32 s0, $0x8;
	s0 =	ssub.s32 $0x2, s0;
	s11 =	sand.u32 $0x1800, s4  }
0xa: {  	s5 =	sor.u32 s3, s4;
	s3 =	simm.s32 $0x0;
	s7 =	sshrl.u32 s0, $0x1  }
0xb: {  	v0 =	vmov s11;
	s11 =	simm.s32 $0xB100;
	s5 =	sshrl.u32 s5, $0x3;
	[smem:$0x7FF] =	sst s3  }
0xc: {  	s0 =	ssub.s32 s0, s7;
	s6 =	smul.u32 $0x300, s5;
	_ =	strace $0x8000004A  }
0xd: {  	s8 =	smul.u32 $0x1800, s5;
	s5 =	sadd.s32 s5, s1;
	s1 =	sadd.s32 $0x2600, s1  }
0xe: {  	s10 =	smax.u32 s0, $0x1;
	s5 =	sadd.s32 $0x2200, s5;
	s23 =	sadd.s32 s1, s6  }
0xf: {  	s24 =	sshrl.u32 s8, $0x3;
	[dreg:$0x3] =	wrdreg s5;
	s5 =	sadd.s32 $0x100, s2  }
0x10: {  	s6 =	sadd.s32 $0x200, s2;
	s8 =	simm.s32 $0x3;
	[dreg:$0x7] =	wrdreg s23  }
0x11: {  	s25 =	sadd.s32 $0x1800, s23;
	s1 =	sadd.s32 s1, s24;
	s23 =	simm.s32 $0x5900  }
0x12: {  	v3 =	vlaneseq.u32;
	s24 =	simm.s32 $0x6100;
	[dreg:$0x4] =	wrdreg s25;
	s26 =	sadd.s32 $0x3000, s1  }
0x13: {  	vm0 =	vmmov $0xffff;
	v2 =	vshrl.u32 v3, $0x3;
	s1 =	sadd.s32 $0x4800, s1;
	s25 =	simm.s32 $0x6900;
	[dreg:$0x5] =	wrdreg s26  }
0x14: {  	v1 =	vand.u32 $0x7, v3;
	v3 =	vor.u32 $0x8, v3;
	v2 =	vmul.u32 $0x8, v2;
	[dreg:$0x6] =	wrdreg s1;
	s26 =	simm.s32 $0x7100;
	s1 =	simm.s32 $0xC100  }
.LBB2_1:
0x15: {  	s4 =	rddreg [dreg:$0x3]  }
0x16: {  	[tilespmem:s3], [sflag:$0x3] =	stream.linear.gather [hbm4b:s4+s3], $0x100, $0x38;
	[tilespmem:$0x18100] =	vst v63  }
0x17: {  	_ =	swait.ge [sflag:s8], $0x100  }
0x18: {  	[sflag:s8] =	ssyncset.done $0x0  }
0x19: {  	[sflag:s8] =	ssyncadd.s32 $0xFFFFFF00  }
0x1a: {  	v4 =	vld [tilespmem:$0x0]  }
0x1b: {  	v5 =	vld [tilespmem:$0x10]  }
0x1c: {  	v6 =	vld [tilespmem:$0x20]  }
0x1d: {  	v7 =	vld [tilespmem:$0x30]  }
0x1e: {  	v8 =	vld [tilespmem:$0x40]  }
0x1f: {  	v10 =	vld [tilespmem:$0x50];
	v9 =	vadd.s32 v0, v4  }
0x20: {  	v11 =	vld [tilespmem:$0x60];
	v5 =	vadd.s32 v0, v5;
	[tilespmem:$0x0] =	vst v9  }
0x21: {  	v53 =	vld [tilespmem:$0x70];
	[tilespmem:$0x10] =	vst v5;
	v5 =	vadd.s32 v0, v6  }
0x22: {  	v54 =	vld [tilespmem:$0x80];
	[tilespmem:$0x20] =	vst v5;
	v5 =	vadd.s32 v0, v7  }
0x23: {  	v55 =	vld [tilespmem:$0x90];
	[tilespmem:$0x30] =	vst v5;
	v5 =	vadd.s32 v0, v8  }
0x24: {  	v56 =	vld [tilespmem:$0xA0];
	[tilespmem:$0x40] =	vst v5;
	v5 =	vadd.s32 v0, v10  }
0x25: {  	v57 =	vld [tilespmem:$0xB0];
	v9 =	vshrl.u32 v9, $0x3;
	[tilespmem:$0x50] =	vst v5;
	v5 =	vadd.s32 v0, v11  }
0x26: {  	v58 =	vld [tilespmem:$0xC0];
	v9 =	vmul.u32 $0x30, v9;
	[tilespmem:$0x60] =	vst v5;
	v5 =	vadd.s32 v0, v53  }
0x27: {  	v59 =	vld [tilespmem:$0xD0];
	v4 =	vand.u32 $0x7, v4;
	[tilespmem:$0x70] =	vst v5;
	v5 =	vadd.s32 v0, v54  }
0x28: {  	v60 =	vld [tilespmem:$0xE0];
	v4 =	vor.u32 v4, v9;
	[tilespmem:$0x80] =	vst v5;
	v5 =	vadd.s32 v0, v55  }
0x29: {  	v61 =	vld [tilespmem:$0xF0];
	v62 =	vperm.xlane v4, v1;
	[tilespmem:$0x90] =	vst v5;
	v5 =	vadd.s32 v0, v56  }
0x2a: {  	[tilespmem:$0xA0] =	vst v5;
	v5 =	vadd.s32 v0, v57  }
0x2b: {  	v63 =	vadd.s32 v2, v62;
	[tilespmem:$0xB0] =	vst v5;
	v5 =	vadd.s32 v0, v58  }
0x2c: {  	[tilespmem:$0xC0] =	vst v5;
	v5 =	vadd.s32 v0, v59  }
0x2d: {  	[tilespmem:$0xD0] =	vst v5;
	v5 =	vadd.s32 v0, v60  }
0x2e: {  	[tilespmem:$0xE0] =	vst v5;
	v5 =	vadd.s32 v0, v61  }
0x2f: {  	s0 =	simm.s32 $0x100;
	v4 =	vperm.xlane v4, v3;
	[tilespmem:$0xF0] =	vst v5  }
0x30: {  	[tilespmem:s0], [sflag:$0x1] =	stream.indirect_vreg.gather [hbm4b:s2+s3], $0x80, v63, vm0, $0xb8;
	[tilespmem:$0x18100] =	vst v63  }
0x31: {  	v4 =	vadd.s32 v2, v4  }
0x32: {  	[tilespmem:s13], [sflag:$0x1] =	stream.indirect_vreg.gather [hbm4b:s5+s3], $0x80, v63, vm0, $0xb8;
	[tilespmem:$0x18100] =	vst v63  }
0x33: {  	_ = 	snop  }
0x34: {  	[tilespmem:s14], [sflag:$0x1] =	stream.indirect_vreg.gather [hbm4b:s6+s3], $0x80, v63, vm0, $0xb8;
	[tilespmem:$0x18100] =	vst v63  }
0x35: {  	_ = 	snop  }
0x36: {  	[tilespmem:s15], [sflag:$0x1] =	stream.indirect_vreg.gather [hbm4b:s2+s3], $0x80, v4, vm0, $0xb8;
	[tilespmem:$0x18100] =	vst v63  }
0x37: {  	_ = 	snop  }
0x38: {  	[tilespmem:s16], [sflag:$0x1] =	stream.indirect_vreg.gather [hbm4b:s5+s3], $0x80, v4, vm0, $0xb8;
	[tilespmem:$0x18100] =	vst v63  }
0x39: {  	_ = 	snop  }
0x3a: {  	[tilespmem:s17], [sflag:$0x1] =	stream.indirect_vreg.gather [hbm4b:s6+s3], $0x80, v4, vm0, $0xb8;
	[tilespmem:$0x18100] =	vst v63  }
0x3b: {  	v4 =	vld [tilespmem:$0x10];
	_ =	sdelay $0x4  }
0x3c: {  	v5 =	vshrl.u32 v4, $0x3  }
0x3d: {  	v5 =	vmul.u32 $0x30, v5  }
0x3e: {  	v4 =	vand.u32 $0x7, v4  }
0x3f: {  	v4 =	vor.u32 v4, v5  }
0x40: {  	v5 =	vperm.xlane v4, v1;
	_ =	sdelay $0x1  }
0x41: {  	v5 =	vadd.s32 v2, v5;
	_ =	sdelay $0x3  }
0x42: {  	v4 =	vperm.xlane v4, v3  }
0x43: {  	[tilespmem:s18], [sflag:$0x1] =	stream.indirect_vreg.gather [hbm4b:s2+s3], $0x80, v5, vm0, $0xb8;
	[tilespmem:$0x18100] =	vst v63  }
0x44: {  	v4 =	vadd.s32 v2, v4  }
0x45: {  	[tilespmem:s19], [sflag:$0x1] =	stream.indirect_vreg.gather [hbm4b:s5+s3], $0x80, v5, vm0, $0xb8;
	[tilespmem:$0x18100] =	vst v63  }
0x46: {  	_ = 	snop  }
0x47: {  	[tilespmem:s20], [sflag:$0x1] =	stream.indirect_vreg.gather [hbm4b:s6+s3], $0x80, v5, vm0, $0xb8;
	[tilespmem:$0x18100] =	vst v63  }
0x48: {  	_ = 	snop  }
0x49: {  	[tilespmem:s21], [sflag:$0x1] =	stream.indirect_vreg.gather [hbm4b:s2+s3], $0x80, v4, vm0, $0xb8;
	[tilespmem:$0x18100] =	vst v63  }
0x4a: {  	_ = 	snop  }
0x4b: {  	[tilespmem:s22], [sflag:$0x1] =	stream.indirect_vreg.gather [hbm4b:s5+s3], $0x80, v4, vm0, $0xb8;
	[tilespmem:$0x18100] =	vst v63  }
0x4c: {  	_ = 	snop  }
0x4d: {  	[tilespmem:s23], [sflag:$0x1] =	stream.indirect_vreg.gather [hbm4b:s6+s3], $0x80, v4, vm0, $0xb8;
	[tilespmem:$0x18100] =	vst v63  }
0x4e: {  	v4 =	vld [tilespmem:$0x20];
	_ =	sdelay $0x4  }
0x4f: {  	v5 =	vshrl.u32 v4, $0x3  }
0x50: {  	v5 =	vmul.u32 $0x30, v5  }
0x51: {  	v4 =	vand.u32 $0x7, v4  }
0x52: {  	v4 =	vor.u32 v4, v5  }
0x53: {  	v5 =	vperm.xlane v4, v1;
	_ =	sdelay $0x1  }
0x54: {  	v5 =	vadd.s32 v2, v5;
	_ =	sdelay $0x3  }
0x55: {  	v4 =	vperm.xlane v4, v3  }
0x56: {  	[tilespmem:s24], [sflag:$0x1] =	stream.indirect_vreg.gather [hbm4b:s2+s3], $0x80, v5, vm0, $0xb8;
	[tilespmem:$0x18100] =	vst v63  }
0x57: {  	v4 =	vadd.s32 v2, v4  }
0x58: {  	[tilespmem:s25], [sflag:$0x1] =	stream.indirect_vreg.gather [hbm4b:s5+s3], $0x80, v5, vm0, $0xb8;
	[tilespmem:$0x18100] =	vst v63  }
0x59: {  	_ = 	snop  }
0x5a: {  	[tilespmem:s26], [sflag:$0x1] =	stream.indirect_vreg.gather [hbm4b:s6+s3], $0x80, v5, vm0, $0xb8;
	[tilespmem:$0x18100] =	vst v63  }
0x5b: {  	_ = 	snop  }
0x5c: {  	[tilespmem:s28], [sflag:$0x1] =	stream.indirect_vreg.gather [hbm4b:s2+s3], $0x80, v4, vm0, $0xb8;
	[tilespmem:$0x18100] =	vst v63  }
0x5d: {  	_ = 	snop  }
0x5e: {  	[tilespmem:s29], [sflag:$0x1] =	stream.indirect_vreg.gather [hbm4b:s5+s3], $0x80, v4, vm0, $0xb8;
	[tilespmem:$0x18100] =	vst v63  }
0x5f: {  	_ = 	snop  }
0x60: {  	[tilespmem:s30], [sflag:$0x1] =	stream.indirect_vreg.gather [hbm4b:s6+s3], $0x80, v4, vm0, $0xb8;
	[tilespmem:$0x18100] =	vst v63  }
0x61: {  	v4 =	vld [tilespmem:$0x30];
	_ =	sdelay $0x4  }
0x62: {  	v5 =	vshrl.u32 v4, $0x3  }
0x63: {  	v5 =	vmul.u32 $0x30, v5  }
0x64: {  	v4 =	vand.u32 $0x7, v4  }
0x65: {  	v4 =	vor.u32 v4, v5  }
0x66: {  	v5 =	vperm.xlane v4, v1;
	_ =	sdelay $0x1  }
0x67: {  	v5 =	vadd.s32 v2, v5;
	_ =	sdelay $0x3  }
0x68: {  	v4 =	vperm.xlane v4, v3  }
0x69: {  	[tilespmem:s31], [sflag:$0x1] =	stream.indirect_vreg.gather [hbm4b:s2+s3], $0x80, v5, vm0, $0xb8;
	[tilespmem:$0x18100] =	vst v63  }
0x6a: {  	s7 =	simm.s32 $0x9900;
	v4 =	vadd.s32 v2, v4  }
0x6b: {  	[tilespmem:s7], [sflag:$0x1] =	stream.indirect_vreg.gather [hbm4b:s5+s3], $0x80, v5, vm0, $0xb8;
	[tilespmem:$0x18100] =	vst v63  }
0x6c: {  	s9 =	simm.s32 $0xA100  }
0x6d: {  	[tilespmem:s9], [sflag:$0x1] =	stream.indirect_vreg.gather [hbm4b:s6+s3], $0x80, v5, vm0, $0xb8;
	[tilespmem:$0x18100] =	vst v63  }
0x6e: {  	s9 =	simm.s32 $0xA900  }
0x6f: {  	[tilespmem:s9], [sflag:$0x1] =	stream.indirect_vreg.gather [hbm4b:s2+s3], $0x80, v4, vm0, $0xb8;
	[tilespmem:$0x18100] =	vst v63  }
0x70: {  	_ = 	snop  }
0x71: {  	[tilespmem:s11], [sflag:$0x1] =	stream.indirect_vreg.gather [hbm4b:s5+s3], $0x80, v4, vm0, $0xb8;
	[tilespmem:$0x18100] =	vst v63  }
0x72: {  	_ = 	snop  }
0x73: {  	[tilespmem:s12], [sflag:$0x1] =	stream.indirect_vreg.gather [hbm4b:s6+s3], $0x80, v4, vm0, $0xb8;
	[tilespmem:$0x18100] =	vst v63  }
0x74: {  	v4 =	vld [tilespmem:$0x40];
	_ =	sdelay $0x4  }
0x75: {  	v5 =	vshrl.u32 v4, $0x3  }
0x76: {  	v5 =	vmul.u32 $0x30, v5  }
0x77: {  	v4 =	vand.u32 $0x7, v4  }
0x78: {  	v4 =	vor.u32 v4, v5  }
0x79: {  	v5 =	vperm.xlane v4, v1;
	_ =	sdelay $0x1  }
0x7a: {  	v5 =	vadd.s32 v2, v5;
	_ =	sdelay $0x3  }
0x7b: {  	v4 =	vperm.xlane v4, v3  }
0x7c: {  	[tilespmem:s1], [sflag:$0x2] =	stream.indirect_vreg.gather [hbm4b:s2+s3], $0x80, v5, vm0, $0xb8;
	[tilespmem:$0x18100] =	vst v63  }
0x7d: {  	s4 =	simm.s32 $0xC900;
	v4 =	vadd.s32 v2, v4  }
0x7e: {  	[tilespmem:s4], [sflag:$0x2] =	stream.indirect_vreg.gather [hbm4b:s5+s3], $0x80, v5, vm0, $0xb8;
	[tilespmem:$0x18100] =	vst v63  }
0x7f: {  	s7 =	simm.s32 $0xD100  }
0x80: {  	[tilespmem:s7], [sflag:$0x2] =	stream.indirect_vreg.gather [hbm4b:s6+s3], $0x80, v5, vm0, $0xb8;
	[tilespmem:$0x18100] =	vst v63  }
0x81: {  	s4 =	simm.s32 $0xD900  }
0x82: {  	[tilespmem:s4], [sflag:$0x2] =	stream.indirect_vreg.gather [hbm4b:s2+s3], $0x80, v4, vm0, $0xb8;
	[tilespmem:$0x18100] =	vst v63  }
0x83: {  	s7 =	simm.s32 $0xE100  }
0x84: {  	[tilespmem:s7], [sflag:$0x2] =	stream.indirect_vreg.gather [hbm4b:s5+s3], $0x80, v4, vm0, $0xb8;
	[tilespmem:$0x18100] =	vst v63  }
0x85: {  	s4 =	simm.s32 $0xE900  }
0x86: {  	[tilespmem:s4], [sflag:$0x2] =	stream.indirect_vreg.gather [hbm4b:s6+s3], $0x80, v4, vm0, $0xb8;
	[tilespmem:$0x18100] =	vst v63  }
0x87: {  	v4 =	vld [tilespmem:$0x50];
	_ =	sdelay $0x4  }
0x88: {  	v5 =	vshrl.u32 v4, $0x3  }
0x89: {  	v5 =	vmul.u32 $0x30, v5  }
0x8a: {  	v4 =	vand.u32 $0x7, v4  }
0x8b: {  	v4 =	vor.u32 v4, v5  }
0x8c: {  	v5 =	vperm.xlane v4, v1;
	_ =	sdelay $0x1  }
0x8d: {  	v5 =	vadd.s32 v2, v5;
	_ =	sdelay $0x3  }
0x8e: {  	s7 =	simm.s32 $0xF100;
	v4 =	vperm.xlane v4, v3  }
0x8f: {  	[tilespmem:s7], [sflag:$0x2] =	stream.indirect_vreg.gather [hbm4b:s2+s3], $0x80, v5, vm0, $0xb8;
	[tilespmem:$0x18100] =	vst v63  }
0x90: {  	s4 =	simm.s32 $0xF900;
	v4 =	vadd.s32 v2, v4  }
0x91: {  	[tilespmem:s4], [sflag:$0x2] =	stream.indirect_vreg.gather [hbm4b:s5+s3], $0x80, v5, vm0, $0xb8;
	[tilespmem:$0x18100] =	vst v63  }
0x92: {  	s7 =	simm.s32 $0x10100  }
0x93: {  	[tilespmem:s7], [sflag:$0x2] =	stream.indirect_vreg.gather [hbm4b:s6+s3], $0x80, v5, vm0, $0xb8;
	[tilespmem:$0x18100] =	vst v63  }
0x94: {  	s4 =	simm.s32 $0x10900  }
0x95: {  	[tilespmem:s4], [sflag:$0x2] =	stream.indirect_vreg.gather [hbm4b:s2+s3], $0x80, v4, vm0, $0xb8;
	[tilespmem:$0x18100] =	vst v63  }
0x96: {  	s7 =	simm.s32 $0x11100  }
0x97: {  	[tilespmem:s7], [sflag:$0x2] =	stream.indirect_vreg.gather [hbm4b:s5+s3], $0x80, v4, vm0, $0xb8;
	[tilespmem:$0x18100] =	vst v63  }
0x98: {  	s4 =	simm.s32 $0x11900  }
0x99: {  	[tilespmem:s4], [sflag:$0x2] =	stream.indirect_vreg.gather [hbm4b:s6+s3], $0x80, v4, vm0, $0xb8;
	[tilespmem:$0x18100] =	vst v63  }
0x9a: {  	v4 =	vld [tilespmem:$0x60];
	_ =	sdelay $0x4  }
0x9b: {  	v5 =	vshrl.u32 v4, $0x3  }
0x9c: {  	v5 =	vmul.u32 $0x30, v5  }
0x9d: {  	v4 =	vand.u32 $0x7, v4  }
0x9e: {  	v4 =	vor.u32 v4, v5  }
0x9f: {  	v5 =	vperm.xlane v4, v1;
	_ =	sdelay $0x1  }
0xa0: {  	v5 =	vadd.s32 v2, v5;
	_ =	sdelay $0x3  }
0xa1: {  	s7 =	simm.s32 $0x12100;
	v4 =	vperm.xlane v4, v3  }
0xa2: {  	[tilespmem:s7], [sflag:$0x2] =	stream.indirect_vreg.gather [hbm4b:s2+s3], $0x80, v5, vm0, $0xb8;
	[tilespmem:$0x18100] =	vst v63  }
0xa3: {  	s4 =	simm.s32 $0x12900;
	v4 =	vadd.s32 v2, v4  }
0xa4: {  	[tilespmem:s4], [sflag:$0x2] =	stream.indirect_vreg.gather [hbm4b:s5+s3], $0x80, v5, vm0, $0xb8;
	[tilespmem:$0x18100] =	vst v63  }
0xa5: {  	s7 =	simm.s32 $0x13100  }
0xa6: {  	[tilespmem:s7], [sflag:$0x2] =	stream.indirect_vreg.gather [hbm4b:s6+s3], $0x80, v5, vm0, $0xb8;
	[tilespmem:$0x18100] =	vst v63  }
0xa7: {  	s4 =	simm.s32 $0x13900  }
0xa8: {  	[tilespmem:s4], [sflag:$0x2] =	stream.indirect_vreg.gather [hbm4b:s2+s3], $0x80, v4, vm0, $0xb8;
	[tilespmem:$0x18100] =	vst v63  }
0xa9: {  	s7 =	simm.s32 $0x14100  }
0xaa: {  	[tilespmem:s7], [sflag:$0x2] =	stream.indirect_vreg.gather [hbm4b:s5+s3], $0x80, v4, vm0, $0xb8;
	[tilespmem:$0x18100] =	vst v63  }
0xab: {  	s4 =	simm.s32 $0x14900  }
0xac: {  	[tilespmem:s4], [sflag:$0x2] =	stream.indirect_vreg.gather [hbm4b:s6+s3], $0x80, v4, vm0, $0xb8;
	[tilespmem:$0x18100] =	vst v63  }
0xad: {  	v4 =	vld [tilespmem:$0x70];
	_ =	sdelay $0x4  }
0xae: {  	v5 =	vshrl.u32 v4, $0x3  }
0xaf: {  	v5 =	vmul.u32 $0x30, v5  }
0xb0: {  	v4 =	vand.u32 $0x7, v4  }
0xb1: {  	v4 =	vor.u32 v4, v5  }
0xb2: {  	v5 =	vperm.xlane v4, v1;
	_ =	sdelay $0x1  }
0xb3: {  	v5 =	vadd.s32 v2, v5;
	_ =	sdelay $0x3  }
0xb4: {  	s7 =	simm.s32 $0x15100;
	v4 =	vperm.xlane v4, v3  }
0xb5: {  	[tilespmem:s7], [sflag:$0x2] =	stream.indirect_vreg.gather [hbm4b:s2+s3], $0x80, v5, vm0, $0xb8;
	[tilespmem:$0x18100] =	vst v63  }
0xb6: {  	s4 =	simm.s32 $0x15900;
	v4 =	vadd.s32 v2, v4  }
0xb7: {  	[tilespmem:s4], [sflag:$0x2] =	stream.indirect_vreg.gather [hbm4b:s5+s3], $0x80, v5, vm0, $0xb8;
	[tilespmem:$0x18100] =	vst v63  }
0xb8: {  	s7 =	simm.s32 $0x16100  }
0xb9: {  	[tilespmem:s7], [sflag:$0x2] =	stream.indirect_vreg.gather [hbm4b:s6+s3], $0x80, v5, vm0, $0xb8;
	[tilespmem:$0x18100] =	vst v63  }
0xba: {  	s4 =	simm.s32 $0x16900  }
0xbb: {  	[tilespmem:s4], [sflag:$0x2] =	stream.indirect_vreg.gather [hbm4b:s2+s3], $0x80, v4, vm0, $0xb8;
	[tilespmem:$0x18100] =	vst v63  }
0xbc: {  	s7 =	simm.s32 $0x17100  }
0xbd: {  	[tilespmem:s7], [sflag:$0x2] =	stream.indirect_vreg.gather [hbm4b:s5+s3], $0x80, v4, vm0, $0xb8;
	[tilespmem:$0x18100] =	vst v63  }
0xbe: {  	s0 =	simm.s32 $0x1;
	s4 =	simm.s32 $0x17900  }
0xbf: {  	[tilespmem:s4], [sflag:$0x2] =	stream.indirect_vreg.gather [hbm4b:s6+s3], $0x80, v4, vm0, $0xb8;
	[tilespmem:$0x18100] =	vst v63  }
0xc0: {  	_ =	swait.ge [sflag:s0], $0xC000  }
0xc1: {  	[sflag:s0] =	ssyncset.done $0x0  }
0xc2: {  	s7 =	simm.s32 $0x100;
	s4 =	rddreg [dreg:$0x7];
	[sflag:s0] =	ssyncadd.s32 $0xFFFF4000  }
0xc3: {  	[hbm4b:s4+s3] =	stream.linear.scatter [tilespmem:s7], [sflag:$0x3], $0xC000, $0x38;
	[tilespmem:$0x18100] =	vst v63  }
0xc4: {  	_ =	swait.ge [sflag:s8], $0xC000  }
0xc5: {  	[sflag:s8] =	ssyncset.done $0x0  }
0xc6: {  	[sflag:s8] =	ssyncadd.s32 $0xFFFF4000  }
0xc7: {  	v4 =	vld [tilespmem:$0x80];
	_ =	sdelay $0x4  }
0xc8: {  	v5 =	vshrl.u32 v4, $0x3  }
0xc9: {  	v5 =	vmul.u32 $0x30, v5  }
0xca: {  	v4 =	vand.u32 $0x7, v4  }
0xcb: {  	v4 =	vor.u32 v4, v5  }
0xcc: {  	v5 =	vperm.xlane v4, v1;
	_ =	sdelay $0x1  }
0xcd: {  	v5 =	vadd.s32 v2, v5;
	_ =	sdelay $0x3  }
0xce: {  	v4 =	vperm.xlane v4, v3  }
0xcf: {  	[tilespmem:s7], [sflag:$0x1] =	stream.indirect_vreg.gather [hbm4b:s2+s3], $0x80, v5, vm0, $0xb8;
	[tilespmem:$0x18100] =	vst v63  }
0xd0: {  	v4 =	vadd.s32 v2, v4  }
0xd1: {  	[tilespmem:s13], [sflag:$0x1] =	stream.indirect_vreg.gather [hbm4b:s5+s3], $0x80, v5, vm0, $0xb8;
	[tilespmem:$0x18100] =	vst v63  }
0xd2: {  	_ = 	snop  }
0xd3: {  	[tilespmem:s14], [sflag:$0x1] =	stream.indirect_vreg.gather [hbm4b:s6+s3], $0x80, v5, vm0, $0xb8;
	[tilespmem:$0x18100] =	vst v63  }
0xd4: {  	_ = 	snop  }
0xd5: {  	[tilespmem:s15], [sflag:$0x1] =	stream.indirect_vreg.gather [hbm4b:s2+s3], $0x80, v4, vm0, $0xb8;
	[tilespmem:$0x18100] =	vst v63  }
0xd6: {  	_ = 	snop  }
0xd7: {  	[tilespmem:s16], [sflag:$0x1] =	stream.indirect_vreg.gather [hbm4b:s5+s3], $0x80, v4, vm0, $0xb8;
	[tilespmem:$0x18100] =	vst v63  }
0xd8: {  	_ = 	snop  }
0xd9: {  	[tilespmem:s17], [sflag:$0x1] =	stream.indirect_vreg.gather [hbm4b:s6+s3], $0x80, v4, vm0, $0xb8;
	[tilespmem:$0x18100] =	vst v63  }
0xda: {  	v4 =	vld [tilespmem:$0x90];
	_ =	sdelay $0x4  }
0xdb: {  	v5 =	vshrl.u32 v4, $0x3  }
0xdc: {  	v5 =	vmul.u32 $0x30, v5  }
0xdd: {  	v4 =	vand.u32 $0x7, v4  }
0xde: {  	v4 =	vor.u32 v4, v5  }
0xdf: {  	v5 =	vperm.xlane v4, v1;
	_ =	sdelay $0x1  }
0xe0: {  	v5 =	vadd.s32 v2, v5;
	_ =	sdelay $0x3  }
0xe1: {  	v4 =	vperm.xlane v4, v3  }
0xe2: {  	[tilespmem:s18], [sflag:$0x1] =	stream.indirect_vreg.gather [hbm4b:s2+s3], $0x80, v5, vm0, $0xb8;
	[tilespmem:$0x18100] =	vst v63  }
0xe3: {  	v4 =	vadd.s32 v2, v4  }
0xe4: {  	[tilespmem:s19], [sflag:$0x1] =	stream.indirect_vreg.gather [hbm4b:s5+s3], $0x80, v5, vm0, $0xb8;
	[tilespmem:$0x18100] =	vst v63  }
0xe5: {  	_ = 	snop  }
0xe6: {  	[tilespmem:s20], [sflag:$0x1] =	stream.indirect_vreg.gather [hbm4b:s6+s3], $0x80, v5, vm0, $0xb8;
	[tilespmem:$0x18100] =	vst v63  }
0xe7: {  	_ = 	snop  }
0xe8: {  	[tilespmem:s21], [sflag:$0x1] =	stream.indirect_vreg.gather [hbm4b:s2+s3], $0x80, v4, vm0, $0xb8;
	[tilespmem:$0x18100] =	vst v63  }
0xe9: {  	_ = 	snop  }
0xea: {  	[tilespmem:s22], [sflag:$0x1] =	stream.indirect_vreg.gather [hbm4b:s5+s3], $0x80, v4, vm0, $0xb8;
	[tilespmem:$0x18100] =	vst v63  }
0xeb: {  	_ = 	snop  }
0xec: {  	[tilespmem:s23], [sflag:$0x1] =	stream.indirect_vreg.gather [hbm4b:s6+s3], $0x80, v4, vm0, $0xb8;
	[tilespmem:$0x18100] =	vst v63  }
0xed: {  	v4 =	vld [tilespmem:$0xA0];
	_ =	sdelay $0x4  }
0xee: {  	v5 =	vshrl.u32 v4, $0x3  }
0xef: {  	v5 =	vmul.u32 $0x30, v5  }
0xf0: {  	v4 =	vand.u32 $0x7, v4  }
0xf1: {  	v4 =	vor.u32 v4, v5  }
0xf2: {  	v5 =	vperm.xlane v4, v1;
	_ =	sdelay $0x1  }
0xf3: {  	v5 =	vadd.s32 v2, v5;
	_ =	sdelay $0x3  }
0xf4: {  	v4 =	vperm.xlane v4, v3  }
0xf5: {  	[tilespmem:s24], [sflag:$0x1] =	stream.indirect_vreg.gather [hbm4b:s2+s3], $0x80, v5, vm0, $0xb8;
	[tilespmem:$0x18100] =	vst v63  }
0xf6: {  	v4 =	vadd.s32 v2, v4  }
0xf7: {  	[tilespmem:s25], [sflag:$0x1] =	stream.indirect_vreg.gather [hbm4b:s5+s3], $0x80, v5, vm0, $0xb8;
	[tilespmem:$0x18100] =	vst v63  }
0xf8: {  	_ = 	snop  }
0xf9: {  	[tilespmem:s26], [sflag:$0x1] =	stream.indirect_vreg.gather [hbm4b:s6+s3], $0x80, v5, vm0, $0xb8;
	[tilespmem:$0x18100] =	vst v63  }
0xfa: {  	_ = 	snop  }
0xfb: {  	[tilespmem:s28], [sflag:$0x1] =	stream.indirect_vreg.gather [hbm4b:s2+s3], $0x80, v4, vm0, $0xb8;
	[tilespmem:$0x18100] =	vst v63  }
0xfc: {  	_ = 	snop  }
0xfd: {  	[tilespmem:s29], [sflag:$0x1] =	stream.indirect_vreg.gather [hbm4b:s5+s3], $0x80, v4, vm0, $0xb8;
	[tilespmem:$0x18100] =	vst v63  }
0xfe: {  	_ = 	snop  }
0xff: {  	[tilespmem:s30], [sflag:$0x1] =	stream.indirect_vreg.gather [hbm4b:s6+s3], $0x80, v4, vm0, $0xb8;
	[tilespmem:$0x18100] =	vst v63  }
0x100: {  	v4 =	vld [tilespmem:$0xB0];
	_ =	sdelay $0x4  }
0x101: {  	v5 =	vshrl.u32 v4, $0x3  }
0x102: {  	v5 =	vmul.u32 $0x30, v5  }
0x103: {  	v4 =	vand.u32 $0x7, v4  }
0x104: {  	v4 =	vor.u32 v4, v5  }
0x105: {  	v5 =	vperm.xlane v4, v1;
	_ =	sdelay $0x1  }
0x106: {  	v5 =	vadd.s32 v2, v5;
	_ =	sdelay $0x3  }
0x107: {  	v4 =	vperm.xlane v4, v3  }
0x108: {  	[tilespmem:s31], [sflag:$0x1] =	stream.indirect_vreg.gather [hbm4b:s2+s3], $0x80, v5, vm0, $0xb8;
	[tilespmem:$0x18100] =	vst v63  }
0x109: {  	s4 =	simm.s32 $0x9900;
	v4 =	vadd.s32 v2, v4  }
0x10a: {  	[tilespmem:s4], [sflag:$0x1] =	stream.indirect_vreg.gather [hbm4b:s5+s3], $0x80, v5, vm0, $0xb8;
	[tilespmem:$0x18100] =	vst v63  }
0x10b: {  	s4 =	simm.s32 $0xA100  }
0x10c: {  	[tilespmem:s4], [sflag:$0x1] =	stream.indirect_vreg.gather [hbm4b:s6+s3], $0x80, v5, vm0, $0xb8;
	[tilespmem:$0x18100] =	vst v63  }
0x10d: {  	_ = 	snop  }
0x10e: {  	[tilespmem:s9], [sflag:$0x1] =	stream.indirect_vreg.gather [hbm4b:s2+s3], $0x80, v4, vm0, $0xb8;
	[tilespmem:$0x18100] =	vst v63  }
0x10f: {  	_ = 	snop  }
0x110: {  	[tilespmem:s11], [sflag:$0x1] =	stream.indirect_vreg.gather [hbm4b:s5+s3], $0x80, v4, vm0, $0xb8;
	[tilespmem:$0x18100] =	vst v63  }
0x111: {  	s9 =	simm.s32 $0x2  }
0x112: {  	[tilespmem:s12], [sflag:$0x1] =	stream.indirect_vreg.gather [hbm4b:s6+s3], $0x80, v4, vm0, $0xb8;
	[tilespmem:$0x18100] =	vst v63  }
0x113: {  	_ =	swait.ge [sflag:s9], $0xC000  }
0x114: {  	[sflag:s9] =	ssyncset.done $0x0  }
0x115: {  	s4 =	rddreg [dreg:$0x4];
	[sflag:s9] =	ssyncadd.s32 $0xFFFF4000  }
0x116: {  	[hbm4b:s4+s3] =	stream.linear.scatter [tilespmem:s1], [sflag:$0x3], $0xC000, $0x38;
	[tilespmem:$0x18100] =	vst v63  }
0x117: {  	_ =	swait.ge [sflag:s8], $0xC000  }
0x118: {  	[sflag:s8] =	ssyncset.done $0x0  }
0x119: {  	[sflag:s8] =	ssyncadd.s32 $0xFFFF4000  }
0x11a: {  	v4 =	vld [tilespmem:$0xC0];
	_ =	sdelay $0x4  }
0x11b: {  	v5 =	vshrl.u32 v4, $0x3  }
0x11c: {  	v5 =	vmul.u32 $0x30, v5  }
0x11d: {  	v4 =	vand.u32 $0x7, v4  }
0x11e: {  	v4 =	vor.u32 v4, v5  }
0x11f: {  	v5 =	vperm.xlane v4, v1;
	_ =	sdelay $0x1  }
0x120: {  	v5 =	vadd.s32 v2, v5;
	_ =	sdelay $0x3  }
0x121: {  	v4 =	vperm.xlane v4, v3  }
0x122: {  	[tilespmem:s1], [sflag:$0x2] =	stream.indirect_vreg.gather [hbm4b:s2+s3], $0x80, v5, vm0, $0xb8;
	[tilespmem:$0x18100] =	vst v63  }
0x123: {  	s4 =	simm.s32 $0xC900;
	v4 =	vadd.s32 v2, v4  }
0x124: {  	[tilespmem:s4], [sflag:$0x2] =	stream.indirect_vreg.gather [hbm4b:s5+s3], $0x80, v5, vm0, $0xb8;
	[tilespmem:$0x18100] =	vst v63  }
0x125: {  	s4 =	simm.s32 $0xD100  }
0x126: {  	[tilespmem:s4], [sflag:$0x2] =	stream.indirect_vreg.gather [hbm4b:s6+s3], $0x80, v5, vm0, $0xb8;
	[tilespmem:$0x18100] =	vst v63  }
0x127: {  	s4 =	simm.s32 $0xD900  }
0x128: {  	[tilespmem:s4], [sflag:$0x2] =	stream.indirect_vreg.gather [hbm4b:s2+s3], $0x80, v4, vm0, $0xb8;
	[tilespmem:$0x18100] =	vst v63  }
0x129: {  	s4 =	simm.s32 $0xE100  }
0x12a: {  	[tilespmem:s4], [sflag:$0x2] =	stream.indirect_vreg.gather [hbm4b:s5+s3], $0x80, v4, vm0, $0xb8;
	[tilespmem:$0x18100] =	vst v63  }
0x12b: {  	s4 =	simm.s32 $0xE900  }
0x12c: {  	[tilespmem:s4], [sflag:$0x2] =	stream.indirect_vreg.gather [hbm4b:s6+s3], $0x80, v4, vm0, $0xb8;
	[tilespmem:$0x18100] =	vst v63  }
0x12d: {  	v4 =	vld [tilespmem:$0xD0];
	_ =	sdelay $0x4  }
0x12e: {  	v5 =	vshrl.u32 v4, $0x3  }
0x12f: {  	v5 =	vmul.u32 $0x30, v5  }
0x130: {  	v4 =	vand.u32 $0x7, v4  }
0x131: {  	v4 =	vor.u32 v4, v5  }
0x132: {  	v5 =	vperm.xlane v4, v1;
	_ =	sdelay $0x1  }
0x133: {  	v5 =	vadd.s32 v2, v5;
	_ =	sdelay $0x3  }
0x134: {  	s4 =	simm.s32 $0xF100;
	v4 =	vperm.xlane v4, v3  }
0x135: {  	[tilespmem:s4], [sflag:$0x2] =	stream.indirect_vreg.gather [hbm4b:s2+s3], $0x80, v5, vm0, $0xb8;
	[tilespmem:$0x18100] =	vst v63  }
0x136: {  	v4 =	vadd.s32 v2, v4;
	s4 =	simm.s32 $0xF900  }
0x137: {  	[tilespmem:s4], [sflag:$0x2] =	stream.indirect_vreg.gather [hbm4b:s5+s3], $0x80, v5, vm0, $0xb8;
	[tilespmem:$0x18100] =	vst v63  }
0x138: {  	s4 =	simm.s32 $0x10100  }
0x139: {  	[tilespmem:s4], [sflag:$0x2] =	stream.indirect_vreg.gather [hbm4b:s6+s3], $0x80, v5, vm0, $0xb8;
	[tilespmem:$0x18100] =	vst v63  }
0x13a: {  	s4 =	simm.s32 $0x10900  }
0x13b: {  	[tilespmem:s4], [sflag:$0x2] =	stream.indirect_vreg.gather [hbm4b:s2+s3], $0x80, v4, vm0, $0xb8;
	[tilespmem:$0x18100] =	vst v63  }
0x13c: {  	s4 =	simm.s32 $0x11100  }
0x13d: {  	[tilespmem:s4], [sflag:$0x2] =	stream.indirect_vreg.gather [hbm4b:s5+s3], $0x80, v4, vm0, $0xb8;
	[tilespmem:$0x18100] =	vst v63  }
0x13e: {  	s4 =	simm.s32 $0x11900  }
0x13f: {  	[tilespmem:s4], [sflag:$0x2] =	stream.indirect_vreg.gather [hbm4b:s6+s3], $0x80, v4, vm0, $0xb8;
	[tilespmem:$0x18100] =	vst v63  }
0x140: {  	v4 =	vld [tilespmem:$0xE0];
	_ =	sdelay $0x4  }
0x141: {  	v5 =	vshrl.u32 v4, $0x3  }
0x142: {  	v5 =	vmul.u32 $0x30, v5  }
0x143: {  	v4 =	vand.u32 $0x7, v4  }
0x144: {  	v4 =	vor.u32 v4, v5  }
0x145: {  	v5 =	vperm.xlane v4, v1;
	_ =	sdelay $0x1  }
0x146: {  	v5 =	vadd.s32 v2, v5;
	_ =	sdelay $0x3  }
0x147: {  	s4 =	simm.s32 $0x12100;
	v4 =	vperm.xlane v4, v3  }
0x148: {  	[tilespmem:s4], [sflag:$0x2] =	stream.indirect_vreg.gather [hbm4b:s2+s3], $0x80, v5, vm0, $0xb8;
	[tilespmem:$0x18100] =	vst v63  }
0x149: {  	v4 =	vadd.s32 v2, v4;
	s4 =	simm.s32 $0x12900  }
0x14a: {  	[tilespmem:s4], [sflag:$0x2] =	stream.indirect_vreg.gather [hbm4b:s5+s3], $0x80, v5, vm0, $0xb8;
	[tilespmem:$0x18100] =	vst v63  }
0x14b: {  	s4 =	simm.s32 $0x13100  }
0x14c: {  	[tilespmem:s4], [sflag:$0x2] =	stream.indirect_vreg.gather [hbm4b:s6+s3], $0x80, v5, vm0, $0xb8;
	[tilespmem:$0x18100] =	vst v63  }
0x14d: {  	s4 =	simm.s32 $0x13900  }
0x14e: {  	[tilespmem:s4], [sflag:$0x2] =	stream.indirect_vreg.gather [hbm4b:s2+s3], $0x80, v4, vm0, $0xb8;
	[tilespmem:$0x18100] =	vst v63  }
0x14f: {  	s4 =	simm.s32 $0x14100  }
0x150: {  	[tilespmem:s4], [sflag:$0x2] =	stream.indirect_vreg.gather [hbm4b:s5+s3], $0x80, v4, vm0, $0xb8;
	[tilespmem:$0x18100] =	vst v63  }
0x151: {  	s4 =	simm.s32 $0x14900  }
0x152: {  	[tilespmem:s4], [sflag:$0x2] =	stream.indirect_vreg.gather [hbm4b:s6+s3], $0x80, v4, vm0, $0xb8;
	[tilespmem:$0x18100] =	vst v63  }
0x153: {  	v4 =	vld [tilespmem:$0xF0];
	_ =	sdelay $0x4  }
0x154: {  	v5 =	vshrl.u32 v4, $0x3  }
0x155: {  	v5 =	vmul.u32 $0x30, v5  }
0x156: {  	v4 =	vand.u32 $0x7, v4  }
0x157: {  	v4 =	vor.u32 v4, v5  }
0x158: {  	v5 =	vperm.xlane v4, v1;
	_ =	sdelay $0x1  }
0x159: {  	v5 =	vadd.s32 v2, v5;
	_ =	sdelay $0x3  }
0x15a: {  	s4 =	simm.s32 $0x15100;
	v4 =	vperm.xlane v4, v3  }
0x15b: {  	[tilespmem:s4], [sflag:$0x2] =	stream.indirect_vreg.gather [hbm4b:s2+s3], $0x80, v5, vm0, $0xb8;
	[tilespmem:$0x18100] =	vst v63  }
0x15c: {  	v4 =	vadd.s32 v2, v4;
	s4 =	simm.s32 $0x15900  }
0x15d: {  	[tilespmem:s4], [sflag:$0x2] =	stream.indirect_vreg.gather [hbm4b:s5+s3], $0x80, v5, vm0, $0xb8;
	[tilespmem:$0x18100] =	vst v63  }
0x15e: {  	s4 =	simm.s32 $0x16100  }
0x15f: {  	[tilespmem:s4], [sflag:$0x2] =	stream.indirect_vreg.gather [hbm4b:s6+s3], $0x80, v5, vm0, $0xb8;
	[tilespmem:$0x18100] =	vst v63  }
0x160: {  	s4 =	simm.s32 $0x16900  }
0x161: {  	[tilespmem:s4], [sflag:$0x2] =	stream.indirect_vreg.gather [hbm4b:s2+s3], $0x80, v4, vm0, $0xb8;
	[tilespmem:$0x18100] =	vst v63  }
0x162: {  	s4 =	simm.s32 $0x17100  }
0x163: {  	[tilespmem:s4], [sflag:$0x2] =	stream.indirect_vreg.gather [hbm4b:s5+s3], $0x80, v4, vm0, $0xb8;
	[tilespmem:$0x18100] =	vst v63  }
0x164: {  	s4 =	simm.s32 $0x17900  }
0x165: {  	[tilespmem:s4], [sflag:$0x2] =	stream.indirect_vreg.gather [hbm4b:s6+s3], $0x80, v4, vm0, $0xb8;
	[tilespmem:$0x18100] =	vst v63  }
0x166: {  	_ =	swait.ge [sflag:s0], $0xC000  }
0x167: {  	[sflag:s0] =	ssyncset.done $0x0  }
0x168: {  	s7 =	simm.s32 $0x100;
	s4 =	rddreg [dreg:$0x5];
	[sflag:s0] =	ssyncadd.s32 $0xFFFF4000  }
0x169: {  	[hbm4b:s4+s3] =	stream.linear.scatter [tilespmem:s7], [sflag:$0x3], $0xC000, $0x38;
	[tilespmem:$0x18100] =	vst v63  }
0x16a: {  	_ =	swait.ge [sflag:s8], $0xC000  }
0x16b: {  	[sflag:s8] =	ssyncset.done $0x0  }
0x16c: {  	[sflag:s8] =	ssyncadd.s32 $0xFFFF4000  }
0x16d: {  	_ =	swait.ge [sflag:s9], $0xC000  }
0x16e: {  	p0 =	sne.s32 s10, $0x1;
	[sflag:s9] =	ssyncset.done $0x0  }
.Ltmp0:
0x16f: {  	s7 =	rddreg [dreg:$0x6];
	[sflag:s9] =	ssyncadd.s32 $0xFFFF4000;
	(pc) =	sbr.rel @p0 .LBB2_1-.Ltmp0, $4  }
0x170: {  	[hbm4b:s7+s3] =	stream.linear.scatter [tilespmem:s1], [sflag:$0x3], $0xC000, $0x38;
	[tilespmem:$0x18100] =	vst v63  }
0x171: {  	_ =	swait.ge [sflag:s8], $0xC000  }
0x172: {  	[sflag:s8] =	ssyncset.done $0x0  }
0x173: {  	s10 =	sadd.s32 $0xFFFFFFFF, s10;
	[sflag:s8] =	ssyncadd.s32 $0xFFFF4000  }
0x174: {  	_ =	sfence.sel $0x180000  }
0x175: {  	[bflag:$0x0] =	sbarrier.arrive $0xFFFF  }
0x176: {  	_ =	strace $0x9000004A  }
0x177: {  	s0 =	stileid.u32;
	[bflag:$0x2] =	sbarrier.arrive $0xFFFF  }
0x178: {  	p0 =	sne.s32 s0, $0x0;
	s0 =	rddreg [dreg:$0x2]  }
0x179: {  	s0 =	sadd.s32 @!p0 $0x100000, s0  }
0x17a: {  	[sflag:s0] =	ssyncadd.tile.s32 @!p0 $0x1;
	_ =	shalt  }
.Lfunc_end2:
_tile_overlayer_lowered:
.L_overlay_start_2:
0x17b: {  	(tag) =	ssettag $0x2  }
0x17c: {  	s0 =	rddreg [dreg:$0x0];
	s2 =	stileid.u32  }
0x17d: {  	s1 =	rddreg [dreg:$0x1];
	p0 =	sne.s32 s2, $0x0  }
0x17e: {  	s3 =	rddreg [dreg:$0x2];
	[bflag:$0x3] =	sbarrier.arrive $0xFFFF;
	s2 =	simm.s32 @!p0 $0x1C03  }
0x17f: {  	[timem:s3], [sflag:s2] =	dma.local @!p0 [hbm:s0], s1  }
0x180: {  	s0 =	simm.s32 @!p0 $0x3  }
0x181: {  	_ =	swait.ge @!p0 [sflag:s0], s1  }
0x182: {  	s1 =	ssub.s32 @!p0 $0x0, s1;
	[sflag:s0] =	ssyncset.done @!p0 $0x0  }
0x183: {  	[sflag:s0] =	ssyncadd.s32 @!p0 s1  }
0x184: {  	[bflag:$0x3] =	sbarrier.arrive $0xFFFF  }
0x185: {  	_ =	shalt  }

</sc_bundles>
